<compile_context>
chip_gen: v7x
topology: tpu7x:2x2x1
jax: 0.10.2.dev20260603
libtpu: 0.0.44.dev20260713+nightly
codegen_flags: <defaults>
</compile_context>

<pallas_src>
import functools

import jax
import jax.numpy as jnp
from jax import lax
from jax.experimental import pallas as pl
from jax.experimental.pallas import tpu as pltpu
from jax.experimental.pallas import tpu_sc as plsc

_BATCH = 4096
_SEQ = 200
_VOCAB = 100000

_NC = 2
_NS = 16
_NW = _NC * _NS
_COLS_PER = _BATCH // _NW
_LANES = 16
_VOCAB_PAD = 100096
_VECS_PER_ROW = _COLS_PER // _LANES


_CHUNK_ROWS = 40
_N_CHUNKS = _SEQ // _CHUNK_ROWS


_TAB_SLICE = _VOCAB_PAD // _NS
_LAST_START = _VOCAB - _TAB_SLICE


def _lookup_body(tok_hbm, tab_hbm, out_hbm, spm_tab, tab_v, slice_v,
                 i0, i1, i2, sem_tab, si0, si1, si2, so0, so1, so2):
    bufs = (i0, i1, i2)
    sin = (si0, si1, si2)
    sout = (so0, so1, so2)
    sid = lax.axis_index("s")
    wid = sid * _NC + lax.axis_index("c")
    col0 = wid * _COLS_PER

    def hbm_slice(c):
        return (pl.ds(c * _CHUNK_ROWS, _CHUNK_ROWS), pl.ds(col0, _COLS_PER))

    def start_in(c):
        return pltpu.async_copy(
            tok_hbm.at[hbm_slice(c)], bufs[c % 3], sin[c % 3])

    def start_out(c):
        return pltpu.async_copy(
            bufs[c % 3], out_hbm.at[hbm_slice(c)], sout[c % 3])

    start = pl.multiple_of(
        jnp.where(sid == _NS - 1, _LAST_START, sid * _TAB_SLICE), 8)
    stage_dma = pltpu.async_copy(
        tab_hbm.at[pl.ds(start, _TAB_SLICE)], slice_v, sem_tab)
    in_dmas = {c: start_in(c) for c in range(3)}
    out_dmas = {}
    stage_dma.wait()
    pltpu.async_copy(
        slice_v, spm_tab.at[pl.ds(start, _TAB_SLICE)], sem_tab).wait()
    plsc.subcore_barrier()
    pltpu.sync_copy(spm_tab, tab_v)

    for c in range(_N_CHUNKS):
        if 1 <= c and c + 2 < _N_CHUNKS:
            out_dmas[c - 1].wait()
            in_dmas[c + 2] = start_in(c + 2)
        in_dmas[c].wait()
        buf = bufs[c % 3]

        @plsc.parallel_loop(0, _CHUNK_ROWS, 1, unroll=4)
        def _gather_row(r, buf=buf):
            for j in range(_VECS_PER_ROW):
                idx = buf[r, pl.ds(j * _LANES, _LANES)]
                buf[r, pl.ds(j * _LANES, _LANES)] = plsc.load_gather(tab_v, [idx])

        out_dmas[c] = start_out(c)
    for c in range(_N_CHUNKS):
        if c not in (0, 1):
            out_dmas[c].wait()


@jax.jit
def kernel(tokens, vocab_map):
    run = functools.partial(
        pl.kernel,
        mesh=plsc.VectorSubcoreMesh(core_axis_name="c", subcore_axis_name="s"),
        out_type=jax.ShapeDtypeStruct((_SEQ, _BATCH), jnp.int32),
        scratch_types=[
            pltpu.VMEM_SHARED((_VOCAB_PAD,), jnp.int32),
            pltpu.VMEM((_VOCAB_PAD,), jnp.int32),
            pltpu.VMEM((_TAB_SLICE,), jnp.int32),
            pltpu.VMEM((_CHUNK_ROWS, _COLS_PER), jnp.int32),
            pltpu.VMEM((_CHUNK_ROWS, _COLS_PER), jnp.int32),
            pltpu.VMEM((_CHUNK_ROWS, _COLS_PER), jnp.int32),
            pltpu.SemaphoreType.DMA,
            pltpu.SemaphoreType.DMA,
            pltpu.SemaphoreType.DMA,
            pltpu.SemaphoreType.DMA,
            pltpu.SemaphoreType.DMA,
            pltpu.SemaphoreType.DMA,
            pltpu.SemaphoreType.DMA,
        ],
        compiler_params=pltpu.CompilerParams(
            needs_layout_passes=False, use_tc_tiling_on_sc=True
        ),
    )(_lookup_body)
    return run(tokens.T, vocab_map).T

# --- scband reference (transcript-rebuilt; emitter-appended) ---
"""Pipeline reference for scband-vocab-transform-80564996538912 (READ-ONLY COPY).

The authoritative reference and input builder live on the scoring server;
editing this copy changes nothing except your own understanding.
"""

import jax, jax.numpy as jnp
import numpy as np

BATCH = 4096
SEQ = 200
VOCAB = 100000


def setup_inputs(seed: int = 0) -> dict:
    key = jax.random.key(seed)
    k1, k2 = jax.random.split(key)
    # token ids standing in for the string tokens of List[List[str]]
    tokens = jax.random.randint(k1, (BATCH, SEQ), 0, VOCAB, dtype=jnp.int32)
    # vocab lookup table: token-universe id -> vocabulary index (a permutation,
    # modeling ScriptVocabulary.lookup_indices_2d as a pure gather)
    vocab_map = jax.random.permutation(k2, VOCAB).astype(jnp.int32)
    return {"tokens": tokens, "vocab_map": vocab_map}


def reference(tokens, vocab_map):
    # VocabTransform.forward: per-token vocabulary index lookup over a 2D
    # batch of token sequences -> pure row gather from the vocab table.
    return jnp.take(vocab_map, tokens, axis=0)

if __name__ == "__main__":
    import jax
    _d = setup_inputs()
    print(jax.jit(kernel)(*tuple(_d.values())))

</pallas_src>

<mosaic_0001>
#map = affine_map<(d0, d1) -> (0, 0)>
#map1 = affine_map<(d0, d1) -> (0)>
module attributes {stable_mosaic.version = 14 : i64} {
  func.func @_lookup_body(%arg0: i32, %arg1: i32, %arg2: memref<200x4096xi32, #tpu.memory_space<hbm>>, %arg3: memref<100000xi32, #tpu.memory_space<hbm>>, %arg4: memref<200x4096xi32, #tpu.memory_space<hbm>>, %arg5: memref<100096xi32, #tpu.memory_space<vmem_shared>>, %arg6: memref<100096xi32, #tpu.memory_space<vmem>>, %arg7: memref<6256xi32, #tpu.memory_space<vmem>>, %arg8: memref<40x128xi32, #tpu.memory_space<vmem>>, %arg9: memref<40x128xi32, #tpu.memory_space<vmem>>, %arg10: memref<40x128xi32, #tpu.memory_space<vmem>>, %arg11: memref<!tpu.dma_semaphore, #tpu.memory_space<semaphore_mem>>, %arg12: memref<!tpu.dma_semaphore, #tpu.memory_space<semaphore_mem>>, %arg13: memref<!tpu.dma_semaphore, #tpu.memory_space<semaphore_mem>>, %arg14: memref<!tpu.dma_semaphore, #tpu.memory_space<semaphore_mem>>, %arg15: memref<!tpu.dma_semaphore, #tpu.memory_space<semaphore_mem>>, %arg16: memref<!tpu.dma_semaphore, #tpu.memory_space<semaphore_mem>>, %arg17: memref<!tpu.dma_semaphore, #tpu.memory_space<semaphore_mem>>) attributes {dimension_semantics = [#tpu.dimension_semantics<core_parallel>, #tpu.dimension_semantics<subcore_parallel>], iteration_bounds = array<i64: 2, 16>, scalar_prefetch = 0 : i64, scratch_operands = 13 : i64, tpu.core_type = #tpu.core_type<sc_vector_subcore>, window_params = [{transform_indices = #map}, {transform_indices = #map1}, {transform_indices = #map}]} {
    %mul3A = arith.constant 2 : i32
    %mul3A_0 = arith.muli %arg1, %mul3A : i32
    %add3A = arith.addi %mul3A_0, %arg0 : i32
    %mul3A_1 = arith.constant 128 : i32
    %mul3A_2 = arith.muli %add3A, %mul3A_1 : i32
    %eq3A = arith.constant 15 : i32
    %eq3A_3 = arith.cmpi eq, %arg1, %eq3A : i32
    %mul3A_4 = arith.constant 6256 : i32
    %mul3A_5 = arith.muli %arg1, %mul3A_4 : i32
    %jit3A = arith.constant 93744 : i32
    %select_n3A = arith.select %eq3A_3, %jit3A, %mul3A_5 : i32
    %multiple_of3A = tpu.assume_multiple %select_n3A, 8 : i32
    %dma_start3A = tpu.memref_slice %arg3[%multiple_of3A] : memref<100000xi32, #tpu.memory_space<hbm>> -> memref<6256xi32, #tpu.memory_space<hbm>>
    %dma_start3A_6 = tpu.memref_slice %arg3[%multiple_of3A] : memref<100000xi32, #tpu.memory_space<hbm>> -> memref<6256xi32, #tpu.memory_space<hbm>>
    tpu.enqueue_dma source(%dma_start3A_6 : memref<6256xi32, #tpu.memory_space<hbm>>) target(%arg7 : memref<6256xi32, #tpu.memory_space<vmem>>) target_semaphore(%arg11 : memref<!tpu.dma_semaphore, #tpu.memory_space<semaphore_mem>>)
    %dma_start3A_7 = arith.constant 0 : i32
    %dma_start3A_8 = tpu.memref_slice %arg2[%dma_start3A_7, %mul3A_2] : memref<200x4096xi32, #tpu.memory_space<hbm>> -> memref<40x128xi32, #tpu.memory_space<hbm>>
    %dma_start3A_9 = arith.constant 0 : i32
    %dma_start3A_10 = tpu.memref_slice %arg2[%dma_start3A_9, %mul3A_2] : memref<200x4096xi32, #tpu.memory_space<hbm>> -> memref<40x128xi32, #tpu.memory_space<hbm>>
    tpu.enqueue_dma source(%dma_start3A_10 : memref<40x128xi32, #tpu.memory_space<hbm>>) target(%arg8 : memref<40x128xi32, #tpu.memory_space<vmem>>) target_semaphore(%arg12 : memref<!tpu.dma_semaphore, #tpu.memory_space<semaphore_mem>>)
    %dma_start3A_11 = arith.constant 40 : i32
    %dma_start3A_12 = tpu.memref_slice %arg2[%dma_start3A_11, %mul3A_2] : memref<200x4096xi32, #tpu.memory_space<hbm>> -> memref<40x128xi32, #tpu.memory_space<hbm>>
    %dma_start3A_13 = arith.constant 40 : i32
    %dma_start3A_14 = tpu.memref_slice %arg2[%dma_start3A_13, %mul3A_2] : memref<200x4096xi32, #tpu.memory_space<hbm>> -> memref<40x128xi32, #tpu.memory_space<hbm>>
    tpu.enqueue_dma source(%dma_start3A_14 : memref<40x128xi32, #tpu.memory_space<hbm>>) target(%arg9 : memref<40x128xi32, #tpu.memory_space<vmem>>) target_semaphore(%arg13 : memref<!tpu.dma_semaphore, #tpu.memory_space<semaphore_mem>>)
    %dma_start3A_15 = arith.constant 80 : i32
    %dma_start3A_16 = tpu.memref_slice %arg2[%dma_start3A_15, %mul3A_2] : memref<200x4096xi32, #tpu.memory_space<hbm>> -> memref<40x128xi32, #tpu.memory_space<hbm>>
    %dma_start3A_17 = arith.constant 80 : i32
    %dma_start3A_18 = tpu.memref_slice %arg2[%dma_start3A_17, %mul3A_2] : memref<200x4096xi32, #tpu.memory_space<hbm>> -> memref<40x128xi32, #tpu.memory_space<hbm>>
    tpu.enqueue_dma source(%dma_start3A_18 : memref<40x128xi32, #tpu.memory_space<hbm>>) target(%arg10 : memref<40x128xi32, #tpu.memory_space<vmem>>) target_semaphore(%arg14 : memref<!tpu.dma_semaphore, #tpu.memory_space<semaphore_mem>>)
    %dma_wait3A = tpu.memref_slice %arg3[%multiple_of3A] : memref<100000xi32, #tpu.memory_space<hbm>> -> memref<6256xi32, #tpu.memory_space<hbm>>
    %dma_wait3A_19 = tpu.memref_slice %arg3[%multiple_of3A] : memref<100000xi32, #tpu.memory_space<hbm>> -> memref<6256xi32, #tpu.memory_space<hbm>>
    tpu.wait_dma2 semaphore(%arg11 : memref<!tpu.dma_semaphore, #tpu.memory_space<semaphore_mem>>) src(%dma_wait3A_19 : memref<6256xi32, #tpu.memory_space<hbm>>) dst(%arg7 : memref<6256xi32, #tpu.memory_space<vmem>>)
    %dma_start3A_20 = tpu.memref_slice %arg5[%multiple_of3A] : memref<100096xi32, #tpu.memory_space<vmem_shared>> -> memref<6256xi32, #tpu.memory_space<vmem_shared>>
    %dma_start3A_21 = tpu.memref_slice %arg5[%multiple_of3A] : memref<100096xi32, #tpu.memory_space<vmem_shared>> -> memref<6256xi32, #tpu.memory_space<vmem_shared>>
    tpu.enqueue_dma source(%arg7 : memref<6256xi32, #tpu.memory_space<vmem>>) target(%dma_start3A_21 : memref<6256xi32, #tpu.memory_space<vmem_shared>>) target_semaphore(%arg11 : memref<!tpu.dma_semaphore, #tpu.memory_space<semaphore_mem>>)
    %dma_wait3A_22 = tpu.memref_slice %arg5[%multiple_of3A] : memref<100096xi32, #tpu.memory_space<vmem_shared>> -> memref<6256xi32, #tpu.memory_space<vmem_shared>>
    %dma_wait3A_23 = tpu.memref_slice %arg5[%multiple_of3A] : memref<100096xi32, #tpu.memory_space<vmem_shared>> -> memref<6256xi32, #tpu.memory_space<vmem_shared>>
    tpu.wait_dma2 semaphore(%arg11 : memref<!tpu.dma_semaphore, #tpu.memory_space<semaphore_mem>>) src(%arg7 : memref<6256xi32, #tpu.memory_space<vmem>>) dst(%dma_wait3A_23 : memref<6256xi32, #tpu.memory_space<vmem_shared>>)
    %barrier3A = arith.constant 0 : index
    tpu.barrier barrier_id(%barrier3A)
    "tpu.region"() ({
      %run_scoped3A = tpu.sem_alloc : memref<!tpu.dma_semaphore, #tpu.memory_space<semaphore_mem>>
      tpu.enqueue_dma source(%arg5 : memref<100096xi32, #tpu.memory_space<vmem_shared>>) target(%arg6 : memref<100096xi32, #tpu.memory_space<vmem>>) target_semaphore(%run_scoped3A : memref<!tpu.dma_semaphore, #tpu.memory_space<semaphore_mem>>)
      tpu.wait_dma2 semaphore(%run_scoped3A : memref<!tpu.dma_semaphore, #tpu.memory_space<semaphore_mem>>) src(%arg5 : memref<100096xi32, #tpu.memory_space<vmem_shared>>) dst(%arg6 : memref<100096xi32, #tpu.memory_space<vmem>>)
      tpu.yield
    }) : () -> ()
    %dma_wait3A_24 = arith.constant 0 : i32
    %dma_wait3A_25 = tpu.memref_slice %arg2[%dma_wait3A_24, %mul3A_2] : memref<200x4096xi32, #tpu.memory_space<hbm>> -> memref<40x128xi32, #tpu.memory_space<hbm>>
    %dma_wait3A_26 = arith.constant 0 : i32
    %dma_wait3A_27 = tpu.memref_slice %arg2[%dma_wait3A_26, %mul3A_2] : memref<200x4096xi32, #tpu.memory_space<hbm>> -> memref<40x128xi32, #tpu.memory_space<hbm>>
    tpu.wait_dma2 semaphore(%arg12 : memref<!tpu.dma_semaphore, #tpu.memory_space<semaphore_mem>>) src(%dma_wait3A_27 : memref<40x128xi32, #tpu.memory_space<hbm>>) dst(%arg8 : memref<40x128xi32, #tpu.memory_space<vmem>>)
    %parallel_loop3A = arith.constant 0 : i32
    %parallel_loop3A_28 = arith.constant 40 : i32
    %parallel_loop3A_29 = arith.constant 1 : i32
    scf.for %parallel_loop3A_106 = %parallel_loop3A to %parallel_loop3A_28 step %parallel_loop3A_29  : i32 {
      %parallel_loop3A_107 = arith.index_cast %parallel_loop3A_106 : i32 to index
      %parallel_loop3A_108 = arith.constant 0 : index
      %parallel_loop3A_109 = tpu.vector_load %arg8[%parallel_loop3A_107, %parallel_loop3A_108] {strides = array<i32>} : memref<40x128xi32, #tpu.memory_space<vmem>>, vector<16xi32>,
      %parallel_loop3A_110 = tpu.vector_load_idx %arg6[%parallel_loop3A_109] : memref<100096xi32, #tpu.memory_space<vmem>>[vector<16xi32>], vector<16xi32>,
      %parallel_loop3A_111 = arith.index_cast %parallel_loop3A_106 : i32 to index
      %parallel_loop3A_112 = arith.constant 0 : index
      %parallel_loop3A_113 = tpu.vector_load %arg8[%parallel_loop3A_111, %parallel_loop3A_112] {strides = array<i32>} : memref<40x128xi32, #tpu.memory_space<vmem>>, vector<16xi32>,
      tpu.vector_store %arg8[%parallel_loop3A_111, %parallel_loop3A_112], %parallel_loop3A_110 {strides = array<i32>} : memref<40x128xi32, #tpu.memory_space<vmem>>, vector<16xi32>,
      %parallel_loop3A_114 = arith.index_cast %parallel_loop3A_106 : i32 to index
      %parallel_loop3A_115 = arith.constant 16 : index
      %parallel_loop3A_116 = tpu.vector_load %arg8[%parallel_loop3A_114, %parallel_loop3A_115] {strides = array<i32>} : memref<40x128xi32, #tpu.memory_space<vmem>>, vector<16xi32>,
      %parallel_loop3A_117 = tpu.vector_load_idx %arg6[%parallel_loop3A_116] : memref<100096xi32, #tpu.memory_space<vmem>>[vector<16xi32>], vector<16xi32>,
      %parallel_loop3A_118 = arith.index_cast %parallel_loop3A_106 : i32 to index
      %parallel_loop3A_119 = arith.constant 16 : index
      %parallel_loop3A_120 = tpu.vector_load %arg8[%parallel_loop3A_118, %parallel_loop3A_119] {strides = array<i32>} : memref<40x128xi32, #tpu.memory_space<vmem>>, vector<16xi32>,
      tpu.vector_store %arg8[%parallel_loop3A_118, %parallel_loop3A_119], %parallel_loop3A_117 {strides = array<i32>} : memref<40x128xi32, #tpu.memory_space<vmem>>, vector<16xi32>,
      %parallel_loop3A_121 = arith.index_cast %parallel_loop3A_106 : i32 to index
      %parallel_loop3A_122 = arith.constant 32 : index
      %parallel_loop3A_123 = tpu.vector_load %arg8[%parallel_loop3A_121, %parallel_loop3A_122] {strides = array<i32>} : memref<40x128xi32, #tpu.memory_space<vmem>>, vector<16xi32>,
      %parallel_loop3A_124 = tpu.vector_load_idx %arg6[%parallel_loop3A_123] : memref<100096xi32, #tpu.memory_space<vmem>>[vector<16xi32>], vector<16xi32>,
      %parallel_loop3A_125 = arith.index_cast %parallel_loop3A_106 : i32 to index
      %parallel_loop3A_126 = arith.constant 32 : index
      %parallel_loop3A_127 = tpu.vector_load %arg8[%parallel_loop3A_125, %parallel_loop3A_126] {strides = array<i32>} : memref<40x128xi32, #tpu.memory_space<vmem>>, vector<16xi32>,
      tpu.vector_store %arg8[%parallel_loop3A_125, %parallel_loop3A_126], %parallel_loop3A_124 {strides = array<i32>} : memref<40x128xi32, #tpu.memory_space<vmem>>, vector<16xi32>,
      %parallel_loop3A_128 = arith.index_cast %parallel_loop3A_106 : i32 to index
      %parallel_loop3A_129 = arith.constant 48 : index
      %parallel_loop3A_130 = tpu.vector_load %arg8[%parallel_loop3A_128, %parallel_loop3A_129] {strides = array<i32>} : memref<40x128xi32, #tpu.memory_space<vmem>>, vector<16xi32>,
      %parallel_loop3A_131 = tpu.vector_load_idx %arg6[%parallel_loop3A_130] : memref<100096xi32, #tpu.memory_space<vmem>>[vector<16xi32>], vector<16xi32>,
      %parallel_loop3A_132 = arith.index_cast %parallel_loop3A_106 : i32 to index
      %parallel_loop3A_133 = arith.constant 48 : index
      %parallel_loop3A_134 = tpu.vector_load %arg8[%parallel_loop3A_132, %parallel_loop3A_133] {strides = array<i32>} : memref<40x128xi32, #tpu.memory_space<vmem>>, vector<16xi32>,
      tpu.vector_store %arg8[%parallel_loop3A_132, %parallel_loop3A_133], %parallel_loop3A_131 {strides = array<i32>} : memref<40x128xi32, #tpu.memory_space<vmem>>, vector<16xi32>,
      %parallel_loop3A_135 = arith.index_cast %parallel_loop3A_106 : i32 to index
      %parallel_loop3A_136 = arith.constant 64 : index
      %parallel_loop3A_137 = tpu.vector_load %arg8[%parallel_loop3A_135, %parallel_loop3A_136] {strides = array<i32>} : memref<40x128xi32, #tpu.memory_space<vmem>>, vector<16xi32>,
      %parallel_loop3A_138 = tpu.vector_load_idx %arg6[%parallel_loop3A_137] : memref<100096xi32, #tpu.memory_space<vmem>>[vector<16xi32>], vector<16xi32>,
      %parallel_loop3A_139 = arith.index_cast %parallel_loop3A_106 : i32 to index
      %parallel_loop3A_140 = arith.constant 64 : index
      %parallel_loop3A_141 = tpu.vector_load %arg8[%parallel_loop3A_139, %parallel_loop3A_140] {strides = array<i32>} : memref<40x128xi32, #tpu.memory_space<vmem>>, vector<16xi32>,
      tpu.vector_store %arg8[%parallel_loop3A_139, %parallel_loop3A_140], %parallel_loop3A_138 {strides = array<i32>} : memref<40x128xi32, #tpu.memory_space<vmem>>, vector<16xi32>,
      %parallel_loop3A_142 = arith.index_cast %parallel_loop3A_106 : i32 to index
      %parallel_loop3A_143 = arith.constant 80 : index
      %parallel_loop3A_144 = tpu.vector_load %arg8[%parallel_loop3A_142, %parallel_loop3A_143] {strides = array<i32>} : memref<40x128xi32, #tpu.memory_space<vmem>>, vector<16xi32>,
      %parallel_loop3A_145 = tpu.vector_load_idx %arg6[%parallel_loop3A_144] : memref<100096xi32, #tpu.memory_space<vmem>>[vector<16xi32>], vector<16xi32>,
      %parallel_loop3A_146 = arith.index_cast %parallel_loop3A_106 : i32 to index
      %parallel_loop3A_147 = arith.constant 80 : index
      %parallel_loop3A_148 = tpu.vector_load %arg8[%parallel_loop3A_146, %parallel_loop3A_147] {strides = array<i32>} : memref<40x128xi32, #tpu.memory_space<vmem>>, vector<16xi32>,
      tpu.vector_store %arg8[%parallel_loop3A_146, %parallel_loop3A_147], %parallel_loop3A_145 {strides = array<i32>} : memref<40x128xi32, #tpu.memory_space<vmem>>, vector<16xi32>,
      %parallel_loop3A_149 = arith.index_cast %parallel_loop3A_106 : i32 to index
      %parallel_loop3A_150 = arith.constant 96 : index
      %parallel_loop3A_151 = tpu.vector_load %arg8[%parallel_loop3A_149, %parallel_loop3A_150] {strides = array<i32>} : memref<40x128xi32, #tpu.memory_space<vmem>>, vector<16xi32>,
      %parallel_loop3A_152 = tpu.vector_load_idx %arg6[%parallel_loop3A_151] : memref<100096xi32, #tpu.memory_space<vmem>>[vector<16xi32>], vector<16xi32>,
      %parallel_loop3A_153 = arith.index_cast %parallel_loop3A_106 : i32 to index
      %parallel_loop3A_154 = arith.constant 96 : index
      %parallel_loop3A_155 = tpu.vector_load %arg8[%parallel_loop3A_153, %parallel_loop3A_154] {strides = array<i32>} : memref<40x128xi32, #tpu.memory_space<vmem>>, vector<16xi32>,
      tpu.vector_store %arg8[%parallel_loop3A_153, %parallel_loop3A_154], %parallel_loop3A_152 {strides = array<i32>} : memref<40x128xi32, #tpu.memory_space<vmem>>, vector<16xi32>,
      %parallel_loop3A_156 = arith.index_cast %parallel_loop3A_106 : i32 to index
      %parallel_loop3A_157 = arith.constant 112 : index
      %parallel_loop3A_158 = tpu.vector_load %arg8[%parallel_loop3A_156, %parallel_loop3A_157] {strides = array<i32>} : memref<40x128xi32, #tpu.memory_space<vmem>>, vector<16xi32>,
      %parallel_loop3A_159 = tpu.vector_load_idx %arg6[%parallel_loop3A_158] : memref<100096xi32, #tpu.memory_space<vmem>>[vector<16xi32>], vector<16xi32>,
      %parallel_loop3A_160 = arith.index_cast %parallel_loop3A_106 : i32 to index
      %parallel_loop3A_161 = arith.constant 112 : index
      %parallel_loop3A_162 = tpu.vector_load %arg8[%parallel_loop3A_160, %parallel_loop3A_161] {strides = array<i32>} : memref<40x128xi32, #tpu.memory_space<vmem>>, vector<16xi32>,
      tpu.vector_store %arg8[%parallel_loop3A_160, %parallel_loop3A_161], %parallel_loop3A_159 {strides = array<i32>} : memref<40x128xi32, #tpu.memory_space<vmem>>, vector<16xi32>,
    } {sc.loop_unroll_factor = 4 : i64, sc.parallel_access}
    %dma_start3A_30 = arith.constant 0 : i32
    %dma_start3A_31 = tpu.memref_slice %arg4[%dma_start3A_30, %mul3A_2] : memref<200x4096xi32, #tpu.memory_space<hbm>> -> memref<40x128xi32, #tpu.memory_space<hbm>>
    %dma_start3A_32 = arith.constant 0 : i32
    %dma_start3A_33 = tpu.memref_slice %arg4[%dma_start3A_32, %mul3A_2] : memref<200x4096xi32, #tpu.memory_space<hbm>> -> memref<40x128xi32, #tpu.memory_space<hbm>>
    tpu.enqueue_dma source(%arg8 : memref<40x128xi32, #tpu.memory_space<vmem>>) target(%dma_start3A_33 : memref<40x128xi32, #tpu.memory_space<hbm>>) target_semaphore(%arg15 : memref<!tpu.dma_semaphore, #tpu.memory_space<semaphore_mem>>)
    %dma_wait3A_34 = arith.constant 0 : i32
    %dma_wait3A_35 = tpu.memref_slice %arg4[%dma_wait3A_34, %mul3A_2] : memref<200x4096xi32, #tpu.memory_space<hbm>> -> memref<40x128xi32, #tpu.memory_space<hbm>>
    %dma_wait3A_36 = arith.constant 0 : i32
    %dma_wait3A_37 = tpu.memref_slice %arg4[%dma_wait3A_36, %mul3A_2] : memref<200x4096xi32, #tpu.memory_space<hbm>> -> memref<40x128xi32, #tpu.memory_space<hbm>>
    tpu.wait_dma2 semaphore(%arg15 : memref<!tpu.dma_semaphore, #tpu.memory_space<semaphore_mem>>) src(%arg8 : memref<40x128xi32, #tpu.memory_space<vmem>>) dst(%dma_wait3A_37 : memref<40x128xi32, #tpu.memory_space<hbm>>)
    %dma_start3A_38 = arith.constant 120 : i32
    %dma_start3A_39 = tpu.memref_slice %arg2[%dma_start3A_38, %mul3A_2] : memref<200x4096xi32, #tpu.memory_space<hbm>> -> memref<40x128xi32, #tpu.memory_space<hbm>>
    %dma_start3A_40 = arith.constant 120 : i32
    %dma_start3A_41 = tpu.memref_slice %arg2[%dma_start3A_40, %mul3A_2] : memref<200x4096xi32, #tpu.memory_space<hbm>> -> memref<40x128xi32, #tpu.memory_space<hbm>>
    tpu.enqueue_dma source(%dma_start3A_41 : memref<40x128xi32, #tpu.memory_space<hbm>>) target(%arg8 : memref<40x128xi32, #tpu.memory_space<vmem>>) target_semaphore(%arg12 : memref<!tpu.dma_semaphore, #tpu.memory_space<semaphore_mem>>)
    %dma_wait3A_42 = arith.constant 40 : i32
    %dma_wait3A_43 = tpu.memref_slice %arg2[%dma_wait3A_42, %mul3A_2] : memref<200x4096xi32, #tpu.memory_space<hbm>> -> memref<40x128xi32, #tpu.memory_space<hbm>>
    %dma_wait3A_44 = arith.constant 40 : i32
    %dma_wait3A_45 = tpu.memref_slice %arg2[%dma_wait3A_44, %mul3A_2] : memref<200x4096xi32, #tpu.memory_space<hbm>> -> memref<40x128xi32, #tpu.memory_space<hbm>>
    tpu.wait_dma2 semaphore(%arg13 : memref<!tpu.dma_semaphore, #tpu.memory_space<semaphore_mem>>) src(%dma_wait3A_45 : memref<40x128xi32, #tpu.memory_space<hbm>>) dst(%arg9 : memref<40x128xi32, #tpu.memory_space<vmem>>)
    %parallel_loop3A_46 = arith.constant 0 : i32
    %parallel_loop3A_47 = arith.constant 40 : i32
    %parallel_loop3A_48 = arith.constant 1 : i32
    scf.for %parallel_loop3A_106 = %parallel_loop3A_46 to %parallel_loop3A_47 step %parallel_loop3A_48  : i32 {
      %parallel_loop3A_107 = arith.index_cast %parallel_loop3A_106 : i32 to index
      %parallel_loop3A_108 = arith.constant 0 : index
      %parallel_loop3A_109 = tpu.vector_load %arg9[%parallel_loop3A_107, %parallel_loop3A_108] {strides = array<i32>} : memref<40x128xi32, #tpu.memory_space<vmem>>, vector<16xi32>,
      %parallel_loop3A_110 = tpu.vector_load_idx %arg6[%parallel_loop3A_109] : memref<100096xi32, #tpu.memory_space<vmem>>[vector<16xi32>], vector<16xi32>,
      %parallel_loop3A_111 = arith.index_cast %parallel_loop3A_106 : i32 to index
      %parallel_loop3A_112 = arith.constant 0 : index
      %parallel_loop3A_113 = tpu.vector_load %arg9[%parallel_loop3A_111, %parallel_loop3A_112] {strides = array<i32>} : memref<40x128xi32, #tpu.memory_space<vmem>>, vector<16xi32>,
      tpu.vector_store %arg9[%parallel_loop3A_111, %parallel_loop3A_112], %parallel_loop3A_110 {strides = array<i32>} : memref<40x128xi32, #tpu.memory_space<vmem>>, vector<16xi32>,
      %parallel_loop3A_114 = arith.index_cast %parallel_loop3A_106 : i32 to index
      %parallel_loop3A_115 = arith.constant 16 : index
      %parallel_loop3A_116 = tpu.vector_load %arg9[%parallel_loop3A_114, %parallel_loop3A_115] {strides = array<i32>} : memref<40x128xi32, #tpu.memory_space<vmem>>, vector<16xi32>,
      %parallel_loop3A_117 = tpu.vector_load_idx %arg6[%parallel_loop3A_116] : memref<100096xi32, #tpu.memory_space<vmem>>[vector<16xi32>], vector<16xi32>,
      %parallel_loop3A_118 = arith.index_cast %parallel_loop3A_106 : i32 to index
      %parallel_loop3A_119 = arith.constant 16 : index
      %parallel_loop3A_120 = tpu.vector_load %arg9[%parallel_loop3A_118, %parallel_loop3A_119] {strides = array<i32>} : memref<40x128xi32, #tpu.memory_space<vmem>>, vector<16xi32>,
      tpu.vector_store %arg9[%parallel_loop3A_118, %parallel_loop3A_119], %parallel_loop3A_117 {strides = array<i32>} : memref<40x128xi32, #tpu.memory_space<vmem>>, vector<16xi32>,
      %parallel_loop3A_121 = arith.index_cast %parallel_loop3A_106 : i32 to index
      %parallel_loop3A_122 = arith.constant 32 : index
      %parallel_loop3A_123 = tpu.vector_load %arg9[%parallel_loop3A_121, %parallel_loop3A_122] {strides = array<i32>} : memref<40x128xi32, #tpu.memory_space<vmem>>, vector<16xi32>,
      %parallel_loop3A_124 = tpu.vector_load_idx %arg6[%parallel_loop3A_123] : memref<100096xi32, #tpu.memory_space<vmem>>[vector<16xi32>], vector<16xi32>,
      %parallel_loop3A_125 = arith.index_cast %parallel_loop3A_106 : i32 to index
      %parallel_loop3A_126 = arith.constant 32 : index
      %parallel_loop3A_127 = tpu.vector_load %arg9[%parallel_loop3A_125, %parallel_loop3A_126] {strides = array<i32>} : memref<40x128xi32, #tpu.memory_space<vmem>>, vector<16xi32>,
      tpu.vector_store %arg9[%parallel_loop3A_125, %parallel_loop3A_126], %parallel_loop3A_124 {strides = array<i32>} : memref<40x128xi32, #tpu.memory_space<vmem>>, vector<16xi32>,
      %parallel_loop3A_128 = arith.index_cast %parallel_loop3A_106 : i32 to index
      %parallel_loop3A_129 = arith.constant 48 : index
      %parallel_loop3A_130 = tpu.vector_load %arg9[%parallel_loop3A_128, %parallel_loop3A_129] {strides = array<i32>} : memref<40x128xi32, #tpu.memory_space<vmem>>, vector<16xi32>,
      %parallel_loop3A_131 = tpu.vector_load_idx %arg6[%parallel_loop3A_130] : memref<100096xi32, #tpu.memory_space<vmem>>[vector<16xi32>], vector<16xi32>,
      %parallel_loop3A_132 = arith.index_cast %parallel_loop3A_106 : i32 to index
      %parallel_loop3A_133 = arith.constant 48 : index
      %parallel_loop3A_134 = tpu.vector_load %arg9[%parallel_loop3A_132, %parallel_loop3A_133] {strides = array<i32>} : memref<40x128xi32, #tpu.memory_space<vmem>>, vector<16xi32>,
      tpu.vector_store %arg9[%parallel_loop3A_132, %parallel_loop3A_133], %parallel_loop3A_131 {strides = array<i32>} : memref<40x128xi32, #tpu.memory_space<vmem>>, vector<16xi32>,
      %parallel_loop3A_135 = arith.index_cast %parallel_loop3A_106 : i32 to index
      %parallel_loop3A_136 = arith.constant 64 : index
      %parallel_loop3A_137 = tpu.vector_load %arg9[%parallel_loop3A_135, %parallel_loop3A_136] {strides = array<i32>} : memref<40x128xi32, #tpu.memory_space<vmem>>, vector<16xi32>,
      %parallel_loop3A_138 = tpu.vector_load_idx %arg6[%parallel_loop3A_137] : memref<100096xi32, #tpu.memory_space<vmem>>[vector<16xi32>], vector<16xi32>,
      %parallel_loop3A_139 = arith.index_cast %parallel_loop3A_106 : i32 to index
      %parallel_loop3A_140 = arith.constant 64 : index
      %parallel_loop3A_141 = tpu.vector_load %arg9[%parallel_loop3A_139, %parallel_loop3A_140] {strides = array<i32>} : memref<40x128xi32, #tpu.memory_space<vmem>>, vector<16xi32>,
      tpu.vector_store %arg9[%parallel_loop3A_139, %parallel_loop3A_140], %parallel_loop3A_138 {strides = array<i32>} : memref<40x128xi32, #tpu.memory_space<vmem>>, vector<16xi32>,
      %parallel_loop3A_142 = arith.index_cast %parallel_loop3A_106 : i32 to index
      %parallel_loop3A_143 = arith.constant 80 : index
      %parallel_loop3A_144 = tpu.vector_load %arg9[%parallel_loop3A_142, %parallel_loop3A_143] {strides = array<i32>} : memref<40x128xi32, #tpu.memory_space<vmem>>, vector<16xi32>,
      %parallel_loop3A_145 = tpu.vector_load_idx %arg6[%parallel_loop3A_144] : memref<100096xi32, #tpu.memory_space<vmem>>[vector<16xi32>], vector<16xi32>,
      %parallel_loop3A_146 = arith.index_cast %parallel_loop3A_106 : i32 to index
      %parallel_loop3A_147 = arith.constant 80 : index
      %parallel_loop3A_148 = tpu.vector_load %arg9[%parallel_loop3A_146, %parallel_loop3A_147] {strides = array<i32>} : memref<40x128xi32, #tpu.memory_space<vmem>>, vector<16xi32>,
      tpu.vector_store %arg9[%parallel_loop3A_146, %parallel_loop3A_147], %parallel_loop3A_145 {strides = array<i32>} : memref<40x128xi32, #tpu.memory_space<vmem>>, vector<16xi32>,
      %parallel_loop3A_149 = arith.index_cast %parallel_loop3A_106 : i32 to index
      %parallel_loop3A_150 = arith.constant 96 : index
      %parallel_loop3A_151 = tpu.vector_load %arg9[%parallel_loop3A_149, %parallel_loop3A_150] {strides = array<i32>} : memref<40x128xi32, #tpu.memory_space<vmem>>, vector<16xi32>,
      %parallel_loop3A_152 = tpu.vector_load_idx %arg6[%parallel_loop3A_151] : memref<100096xi32, #tpu.memory_space<vmem>>[vector<16xi32>], vector<16xi32>,
      %parallel_loop3A_153 = arith.index_cast %parallel_loop3A_106 : i32 to index
      %parallel_loop3A_154 = arith.constant 96 : index
      %parallel_loop3A_155 = tpu.vector_load %arg9[%parallel_loop3A_153, %parallel_loop3A_154] {strides = array<i32>} : memref<40x128xi32, #tpu.memory_space<vmem>>, vector<16xi32>,
      tpu.vector_store %arg9[%parallel_loop3A_153, %parallel_loop3A_154], %parallel_loop3A_152 {strides = array<i32>} : memref<40x128xi32, #tpu.memory_space<vmem>>, vector<16xi32>,
      %parallel_loop3A_156 = arith.index_cast %parallel_loop3A_106 : i32 to index
      %parallel_loop3A_157 = arith.constant 112 : index
      %parallel_loop3A_158 = tpu.vector_load %arg9[%parallel_loop3A_156, %parallel_loop3A_157] {strides = array<i32>} : memref<40x128xi32, #tpu.memory_space<vmem>>, vector<16xi32>,
      %parallel_loop3A_159 = tpu.vector_load_idx %arg6[%parallel_loop3A_158] : memref<100096xi32, #tpu.memory_space<vmem>>[vector<16xi32>], vector<16xi32>,
      %parallel_loop3A_160 = arith.index_cast %parallel_loop3A_106 : i32 to index
      %parallel_loop3A_161 = arith.constant 112 : index
      %parallel_loop3A_162 = tpu.vector_load %arg9[%parallel_loop3A_160, %parallel_loop3A_161] {strides = array<i32>} : memref<40x128xi32, #tpu.memory_space<vmem>>, vector<16xi32>,
      tpu.vector_store %arg9[%parallel_loop3A_160, %parallel_loop3A_161], %parallel_loop3A_159 {strides = array<i32>} : memref<40x128xi32, #tpu.memory_space<vmem>>, vector<16xi32>,
    } {sc.loop_unroll_factor = 4 : i64, sc.parallel_access}
    %dma_start3A_49 = arith.constant 40 : i32
    %dma_start3A_50 = tpu.memref_slice %arg4[%dma_start3A_49, %mul3A_2] : memref<200x4096xi32, #tpu.memory_space<hbm>> -> memref<40x128xi32, #tpu.memory_space<hbm>>
    %dma_start3A_51 = arith.constant 40 : i32
    %dma_start3A_52 = tpu.memref_slice %arg4[%dma_start3A_51, %mul3A_2] : memref<200x4096xi32, #tpu.memory_space<hbm>> -> memref<40x128xi32, #tpu.memory_space<hbm>>
    tpu.enqueue_dma source(%arg9 : memref<40x128xi32, #tpu.memory_space<vmem>>) target(%dma_start3A_52 : memref<40x128xi32, #tpu.memory_space<hbm>>) target_semaphore(%arg16 : memref<!tpu.dma_semaphore, #tpu.memory_space<semaphore_mem>>)
    %dma_wait3A_53 = arith.constant 40 : i32
    %dma_wait3A_54 = tpu.memref_slice %arg4[%dma_wait3A_53, %mul3A_2] : memref<200x4096xi32, #tpu.memory_space<hbm>> -> memref<40x128xi32, #tpu.memory_space<hbm>>
    %dma_wait3A_55 = arith.constant 40 : i32
    %dma_wait3A_56 = tpu.memref_slice %arg4[%dma_wait3A_55, %mul3A_2] : memref<200x4096xi32, #tpu.memory_space<hbm>> -> memref<40x128xi32, #tpu.memory_space<hbm>>
    tpu.wait_dma2 semaphore(%arg16 : memref<!tpu.dma_semaphore, #tpu.memory_space<semaphore_mem>>) src(%arg9 : memref<40x128xi32, #tpu.memory_space<vmem>>) dst(%dma_wait3A_56 : memref<40x128xi32, #tpu.memory_space<hbm>>)
    %dma_start3A_57 = arith.constant 160 : i32
    %dma_start3A_58 = tpu.memref_slice %arg2[%dma_start3A_57, %mul3A_2] : memref<200x4096xi32, #tpu.memory_space<hbm>> -> memref<40x128xi32, #tpu.memory_space<hbm>>
    %dma_start3A_59 = arith.constant 160 : i32
    %dma_start3A_60 = tpu.memref_slice %arg2[%dma_start3A_59, %mul3A_2] : memref<200x4096xi32, #tpu.memory_space<hbm>> -> memref<40x128xi32, #tpu.memory_space<hbm>>
    tpu.enqueue_dma source(%dma_start3A_60 : memref<40x128xi32, #tpu.memory_space<hbm>>) target(%arg9 : memref<40x128xi32, #tpu.memory_space<vmem>>) target_semaphore(%arg13 : memref<!tpu.dma_semaphore, #tpu.memory_space<semaphore_mem>>)
    %dma_wait3A_61 = arith.constant 80 : i32
    %dma_wait3A_62 = tpu.memref_slice %arg2[%dma_wait3A_61, %mul3A_2] : memref<200x4096xi32, #tpu.memory_space<hbm>> -> memref<40x128xi32, #tpu.memory_space<hbm>>
    %dma_wait3A_63 = arith.constant 80 : i32
    %dma_wait3A_64 = tpu.memref_slice %arg2[%dma_wait3A_63, %mul3A_2] : memref<200x4096xi32, #tpu.memory_space<hbm>> -> memref<40x128xi32, #tpu.memory_space<hbm>>
    tpu.wait_dma2 semaphore(%arg14 : memref<!tpu.dma_semaphore, #tpu.memory_space<semaphore_mem>>) src(%dma_wait3A_64 : memref<40x128xi32, #tpu.memory_space<hbm>>) dst(%arg10 : memref<40x128xi32, #tpu.memory_space<vmem>>)
    %parallel_loop3A_65 = arith.constant 0 : i32
    %parallel_loop3A_66 = arith.constant 40 : i32
    %parallel_loop3A_67 = arith.constant 1 : i32
    scf.for %parallel_loop3A_106 = %parallel_loop3A_65 to %parallel_loop3A_66 step %parallel_loop3A_67  : i32 {
      %parallel_loop3A_107 = arith.index_cast %parallel_loop3A_106 : i32 to index
      %parallel_loop3A_108 = arith.constant 0 : index
      %parallel_loop3A_109 = tpu.vector_load %arg10[%parallel_loop3A_107, %parallel_loop3A_108] {strides = array<i32>} : memref<40x128xi32, #tpu.memory_space<vmem>>, vector<16xi32>,
      %parallel_loop3A_110 = tpu.vector_load_idx %arg6[%parallel_loop3A_109] : memref<100096xi32, #tpu.memory_space<vmem>>[vector<16xi32>], vector<16xi32>,
      %parallel_loop3A_111 = arith.index_cast %parallel_loop3A_106 : i32 to index
      %parallel_loop3A_112 = arith.constant 0 : index
      %parallel_loop3A_113 = tpu.vector_load %arg10[%parallel_loop3A_111, %parallel_loop3A_112] {strides = array<i32>} : memref<40x128xi32, #tpu.memory_space<vmem>>, vector<16xi32>,
      tpu.vector_store %arg10[%parallel_loop3A_111, %parallel_loop3A_112], %parallel_loop3A_110 {strides = array<i32>} : memref<40x128xi32, #tpu.memory_space<vmem>>, vector<16xi32>,
      %parallel_loop3A_114 = arith.index_cast %parallel_loop3A_106 : i32 to index
      %parallel_loop3A_115 = arith.constant 16 : index
      %parallel_loop3A_116 = tpu.vector_load %arg10[%parallel_loop3A_114, %parallel_loop3A_115] {strides = array<i32>} : memref<40x128xi32, #tpu.memory_space<vmem>>, vector<16xi32>,
      %parallel_loop3A_117 = tpu.vector_load_idx %arg6[%parallel_loop3A_116] : memref<100096xi32, #tpu.memory_space<vmem>>[vector<16xi32>], vector<16xi32>,
      %parallel_loop3A_118 = arith.index_cast %parallel_loop3A_106 : i32 to index
      %parallel_loop3A_119 = arith.constant 16 : index
      %parallel_loop3A_120 = tpu.vector_load %arg10[%parallel_loop3A_118, %parallel_loop3A_119] {strides = array<i32>} : memref<40x128xi32, #tpu.memory_space<vmem>>, vector<16xi32>,
      tpu.vector_store %arg10[%parallel_loop3A_118, %parallel_loop3A_119], %parallel_loop3A_117 {strides = array<i32>} : memref<40x128xi32, #tpu.memory_space<vmem>>, vector<16xi32>,
      %parallel_loop3A_121 = arith.index_cast %parallel_loop3A_106 : i32 to index
      %parallel_loop3A_122 = arith.constant 32 : index
      %parallel_loop3A_123 = tpu.vector_load %arg10[%parallel_loop3A_121, %parallel_loop3A_122] {strides = array<i32>} : memref<40x128xi32, #tpu.memory_space<vmem>>, vector<16xi32>,
      %parallel_loop3A_124 = tpu.vector_load_idx %arg6[%parallel_loop3A_123] : memref<100096xi32, #tpu.memory_space<vmem>>[vector<16xi32>], vector<16xi32>,
      %parallel_loop3A_125 = arith.index_cast %parallel_loop3A_106 : i32 to index
      %parallel_loop3A_126 = arith.constant 32 : index
      %parallel_loop3A_127 = tpu.vector_load %arg10[%parallel_loop3A_125, %parallel_loop3A_126] {strides = array<i32>} : memref<40x128xi32, #tpu.memory_space<vmem>>, vector<16xi32>,
      tpu.vector_store %arg10[%parallel_loop3A_125, %parallel_loop3A_126], %parallel_loop3A_124 {strides = array<i32>} : memref<40x128xi32, #tpu.memory_space<vmem>>, vector<16xi32>,
      %parallel_loop3A_128 = arith.index_cast %parallel_loop3A_106 : i32 to index
      %parallel_loop3A_129 = arith.constant 48 : index
      %parallel_loop3A_130 = tpu.vector_load %arg10[%parallel_loop3A_128, %parallel_loop3A_129] {strides = array<i32>} : memref<40x128xi32, #tpu.memory_space<vmem>>, vector<16xi32>,
      %parallel_loop3A_131 = tpu.vector_load_idx %arg6[%parallel_loop3A_130] : memref<100096xi32, #tpu.memory_space<vmem>>[vector<16xi32>], vector<16xi32>,
      %parallel_loop3A_132 = arith.index_cast %parallel_loop3A_106 : i32 to index
      %parallel_loop3A_133 = arith.constant 48 : index
      %parallel_loop3A_134 = tpu.vector_load %arg10[%parallel_loop3A_132, %parallel_loop3A_133] {strides = array<i32>} : memref<40x128xi32, #tpu.memory_space<vmem>>, vector<16xi32>,
      tpu.vector_store %arg10[%parallel_loop3A_132, %parallel_loop3A_133], %parallel_loop3A_131 {strides = array<i32>} : memref<40x128xi32, #tpu.memory_space<vmem>>, vector<16xi32>,
      %parallel_loop3A_135 = arith.index_cast %parallel_loop3A_106 : i32 to index
      %parallel_loop3A_136 = arith.constant 64 : index
      %parallel_loop3A_137 = tpu.vector_load %arg10[%parallel_loop3A_135, %parallel_loop3A_136] {strides = array<i32>} : memref<40x128xi32, #tpu.memory_space<vmem>>, vector<16xi32>,
      %parallel_loop3A_138 = tpu.vector_load_idx %arg6[%parallel_loop3A_137] : memref<100096xi32, #tpu.memory_space<vmem>>[vector<16xi32>], vector<16xi32>,
      %parallel_loop3A_139 = arith.index_cast %parallel_loop3A_106 : i32 to index
      %parallel_loop3A_140 = arith.constant 64 : index
      %parallel_loop3A_141 = tpu.vector_load %arg10[%parallel_loop3A_139, %parallel_loop3A_140] {strides = array<i32>} : memref<40x128xi32, #tpu.memory_space<vmem>>, vector<16xi32>,
      tpu.vector_store %arg10[%parallel_loop3A_139, %parallel_loop3A_140], %parallel_loop3A_138 {strides = array<i32>} : memref<40x128xi32, #tpu.memory_space<vmem>>, vector<16xi32>,
      %parallel_loop3A_142 = arith.index_cast %parallel_loop3A_106 : i32 to index
      %parallel_loop3A_143 = arith.constant 80 : index
      %parallel_loop3A_144 = tpu.vector_load %arg10[%parallel_loop3A_142, %parallel_loop3A_143] {strides = array<i32>} : memref<40x128xi32, #tpu.memory_space<vmem>>, vector<16xi32>,
      %parallel_loop3A_145 = tpu.vector_load_idx %arg6[%parallel_loop3A_144] : memref<100096xi32, #tpu.memory_space<vmem>>[vector<16xi32>], vector<16xi32>,
      %parallel_loop3A_146 = arith.index_cast %parallel_loop3A_106 : i32 to index
      %parallel_loop3A_147 = arith.constant 80 : index
      %parallel_loop3A_148 = tpu.vector_load %arg10[%parallel_loop3A_146, %parallel_loop3A_147] {strides = array<i32>} : memref<40x128xi32, #tpu.memory_space<vmem>>, vector<16xi32>,
      tpu.vector_store %arg10[%parallel_loop3A_146, %parallel_loop3A_147], %parallel_loop3A_145 {strides = array<i32>} : memref<40x128xi32, #tpu.memory_space<vmem>>, vector<16xi32>,
      %parallel_loop3A_149 = arith.index_cast %parallel_loop3A_106 : i32 to index
      %parallel_loop3A_150 = arith.constant 96 : index
      %parallel_loop3A_151 = tpu.vector_load %arg10[%parallel_loop3A_149, %parallel_loop3A_150] {strides = array<i32>} : memref<40x128xi32, #tpu.memory_space<vmem>>, vector<16xi32>,
      %parallel_loop3A_152 = tpu.vector_load_idx %arg6[%parallel_loop3A_151] : memref<100096xi32, #tpu.memory_space<vmem>>[vector<16xi32>], vector<16xi32>,
      %parallel_loop3A_153 = arith.index_cast %parallel_loop3A_106 : i32 to index
      %parallel_loop3A_154 = arith.constant 96 : index
      %parallel_loop3A_155 = tpu.vector_load %arg10[%parallel_loop3A_153, %parallel_loop3A_154] {strides = array<i32>} : memref<40x128xi32, #tpu.memory_space<vmem>>, vector<16xi32>,
      tpu.vector_store %arg10[%parallel_loop3A_153, %parallel_loop3A_154], %parallel_loop3A_152 {strides = array<i32>} : memref<40x128xi32, #tpu.memory_space<vmem>>, vector<16xi32>,
      %parallel_loop3A_156 = arith.index_cast %parallel_loop3A_106 : i32 to index
      %parallel_loop3A_157 = arith.constant 112 : index
      %parallel_loop3A_158 = tpu.vector_load %arg10[%parallel_loop3A_156, %parallel_loop3A_157] {strides = array<i32>} : memref<40x128xi32, #tpu.memory_space<vmem>>, vector<16xi32>,
      %parallel_loop3A_159 = tpu.vector_load_idx %arg6[%parallel_loop3A_158] : memref<100096xi32, #tpu.memory_space<vmem>>[vector<16xi32>], vector<16xi32>,
      %parallel_loop3A_160 = arith.index_cast %parallel_loop3A_106 : i32 to index
      %parallel_loop3A_161 = arith.constant 112 : index
      %parallel_loop3A_162 = tpu.vector_load %arg10[%parallel_loop3A_160, %parallel_loop3A_161] {strides = array<i32>} : memref<40x128xi32, #tpu.memory_space<vmem>>, vector<16xi32>,
      tpu.vector_store %arg10[%parallel_loop3A_160, %parallel_loop3A_161], %parallel_loop3A_159 {strides = array<i32>} : memref<40x128xi32, #tpu.memory_space<vmem>>, vector<16xi32>,
    } {sc.loop_unroll_factor = 4 : i64, sc.parallel_access}
    %dma_start3A_68 = arith.constant 80 : i32
    %dma_start3A_69 = tpu.memref_slice %arg4[%dma_start3A_68, %mul3A_2] : memref<200x4096xi32, #tpu.memory_space<hbm>> -> memref<40x128xi32, #tpu.memory_space<hbm>>
    %dma_start3A_70 = arith.constant 80 : i32
    %dma_start3A_71 = tpu.memref_slice %arg4[%dma_start3A_70, %mul3A_2] : memref<200x4096xi32, #tpu.memory_space<hbm>> -> memref<40x128xi32, #tpu.memory_space<hbm>>
    tpu.enqueue_dma source(%arg10 : memref<40x128xi32, #tpu.memory_space<vmem>>) target(%dma_start3A_71 : memref<40x128xi32, #tpu.memory_space<hbm>>) target_semaphore(%arg17 : memref<!tpu.dma_semaphore, #tpu.memory_space<semaphore_mem>>)
    %dma_wait3A_72 = arith.constant 120 : i32
    %dma_wait3A_73 = tpu.memref_slice %arg2[%dma_wait3A_72, %mul3A_2] : memref<200x4096xi32, #tpu.memory_space<hbm>> -> memref<40x128xi32, #tpu.memory_space<hbm>>
    %dma_wait3A_74 = arith.constant 120 : i32
    %dma_wait3A_75 = tpu.memref_slice %arg2[%dma_wait3A_74, %mul3A_2] : memref<200x4096xi32, #tpu.memory_space<hbm>> -> memref<40x128xi32, #tpu.memory_space<hbm>>
    tpu.wait_dma2 semaphore(%arg12 : memref<!tpu.dma_semaphore, #tpu.memory_space<semaphore_mem>>) src(%dma_wait3A_75 : memref<40x128xi32, #tpu.memory_space<hbm>>) dst(%arg8 : memref<40x128xi32, #tpu.memory_space<vmem>>)
    %parallel_loop3A_76 = arith.constant 0 : i32
    %parallel_loop3A_77 = arith.constant 40 : i32
    %parallel_loop3A_78 = arith.constant 1 : i32
    scf.for %parallel_loop3A_106 = %parallel_loop3A_76 to %parallel_loop3A_77 step %parallel_loop3A_78  : i32 {
      %parallel_loop3A_107 = arith.index_cast %parallel_loop3A_106 : i32 to index
      %parallel_loop3A_108 = arith.constant 0 : index
      %parallel_loop3A_109 = tpu.vector_load %arg8[%parallel_loop3A_107, %parallel_loop3A_108] {strides = array<i32>} : memref<40x128xi32, #tpu.memory_space<vmem>>, vector<16xi32>,
      %parallel_loop3A_110 = tpu.vector_load_idx %arg6[%parallel_loop3A_109] : memref<100096xi32, #tpu.memory_space<vmem>>[vector<16xi32>], vector<16xi32>,
      %parallel_loop3A_111 = arith.index_cast %parallel_loop3A_106 : i32 to index
      %parallel_loop3A_112 = arith.constant 0 : index
      %parallel_loop3A_113 = tpu.vector_load %arg8[%parallel_loop3A_111, %parallel_loop3A_112] {strides = array<i32>} : memref<40x128xi32, #tpu.memory_space<vmem>>, vector<16xi32>,
      tpu.vector_store %arg8[%parallel_loop3A_111, %parallel_loop3A_112], %parallel_loop3A_110 {strides = array<i32>} : memref<40x128xi32, #tpu.memory_space<vmem>>, vector<16xi32>,
      %parallel_loop3A_114 = arith.index_cast %parallel_loop3A_106 : i32 to index
      %parallel_loop3A_115 = arith.constant 16 : index
      %parallel_loop3A_116 = tpu.vector_load %arg8[%parallel_loop3A_114, %parallel_loop3A_115] {strides = array<i32>} : memref<40x128xi32, #tpu.memory_space<vmem>>, vector<16xi32>,
      %parallel_loop3A_117 = tpu.vector_load_idx %arg6[%parallel_loop3A_116] : memref<100096xi32, #tpu.memory_space<vmem>>[vector<16xi32>], vector<16xi32>,
      %parallel_loop3A_118 = arith.index_cast %parallel_loop3A_106 : i32 to index
      %parallel_loop3A_119 = arith.constant 16 : index
      %parallel_loop3A_120 = tpu.vector_load %arg8[%parallel_loop3A_118, %parallel_loop3A_119] {strides = array<i32>} : memref<40x128xi32, #tpu.memory_space<vmem>>, vector<16xi32>,
      tpu.vector_store %arg8[%parallel_loop3A_118, %parallel_loop3A_119], %parallel_loop3A_117 {strides = array<i32>} : memref<40x128xi32, #tpu.memory_space<vmem>>, vector<16xi32>,
      %parallel_loop3A_121 = arith.index_cast %parallel_loop3A_106 : i32 to index
      %parallel_loop3A_122 = arith.constant 32 : index
      %parallel_loop3A_123 = tpu.vector_load %arg8[%parallel_loop3A_121, %parallel_loop3A_122] {strides = array<i32>} : memref<40x128xi32, #tpu.memory_space<vmem>>, vector<16xi32>,
      %parallel_loop3A_124 = tpu.vector_load_idx %arg6[%parallel_loop3A_123] : memref<100096xi32, #tpu.memory_space<vmem>>[vector<16xi32>], vector<16xi32>,
      %parallel_loop3A_125 = arith.index_cast %parallel_loop3A_106 : i32 to index
      %parallel_loop3A_126 = arith.constant 32 : index
      %parallel_loop3A_127 = tpu.vector_load %arg8[%parallel_loop3A_125, %parallel_loop3A_126] {strides = array<i32>} : memref<40x128xi32, #tpu.memory_space<vmem>>, vector<16xi32>,
      tpu.vector_store %arg8[%parallel_loop3A_125, %parallel_loop3A_126], %parallel_loop3A_124 {strides = array<i32>} : memref<40x128xi32, #tpu.memory_space<vmem>>, vector<16xi32>,
      %parallel_loop3A_128 = arith.index_cast %parallel_loop3A_106 : i32 to index
      %parallel_loop3A_129 = arith.constant 48 : index
      %parallel_loop3A_130 = tpu.vector_load %arg8[%parallel_loop3A_128, %parallel_loop3A_129] {strides = array<i32>} : memref<40x128xi32, #tpu.memory_space<vmem>>, vector<16xi32>,
      %parallel_loop3A_131 = tpu.vector_load_idx %arg6[%parallel_loop3A_130] : memref<100096xi32, #tpu.memory_space<vmem>>[vector<16xi32>], vector<16xi32>,
      %parallel_loop3A_132 = arith.index_cast %parallel_loop3A_106 : i32 to index
      %parallel_loop3A_133 = arith.constant 48 : index
      %parallel_loop3A_134 = tpu.vector_load %arg8[%parallel_loop3A_132, %parallel_loop3A_133] {strides = array<i32>} : memref<40x128xi32, #tpu.memory_space<vmem>>, vector<16xi32>,
      tpu.vector_store %arg8[%parallel_loop3A_132, %parallel_loop3A_133], %parallel_loop3A_131 {strides = array<i32>} : memref<40x128xi32, #tpu.memory_space<vmem>>, vector<16xi32>,
      %parallel_loop3A_135 = arith.index_cast %parallel_loop3A_106 : i32 to index
      %parallel_loop3A_136 = arith.constant 64 : index
      %parallel_loop3A_137 = tpu.vector_load %arg8[%parallel_loop3A_135, %parallel_loop3A_136] {strides = array<i32>} : memref<40x128xi32, #tpu.memory_space<vmem>>, vector<16xi32>,
      %parallel_loop3A_138 = tpu.vector_load_idx %arg6[%parallel_loop3A_137] : memref<100096xi32, #tpu.memory_space<vmem>>[vector<16xi32>], vector<16xi32>,
      %parallel_loop3A_139 = arith.index_cast %parallel_loop3A_106 : i32 to index
      %parallel_loop3A_140 = arith.constant 64 : index
      %parallel_loop3A_141 = tpu.vector_load %arg8[%parallel_loop3A_139, %parallel_loop3A_140] {strides = array<i32>} : memref<40x128xi32, #tpu.memory_space<vmem>>, vector<16xi32>,
      tpu.vector_store %arg8[%parallel_loop3A_139, %parallel_loop3A_140], %parallel_loop3A_138 {strides = array<i32>} : memref<40x128xi32, #tpu.memory_space<vmem>>, vector<16xi32>,
      %parallel_loop3A_142 = arith.index_cast %parallel_loop3A_106 : i32 to index
      %parallel_loop3A_143 = arith.constant 80 : index
      %parallel_loop3A_144 = tpu.vector_load %arg8[%parallel_loop3A_142, %parallel_loop3A_143] {strides = array<i32>} : memref<40x128xi32, #tpu.memory_space<vmem>>, vector<16xi32>,
      %parallel_loop3A_145 = tpu.vector_load_idx %arg6[%parallel_loop3A_144] : memref<100096xi32, #tpu.memory_space<vmem>>[vector<16xi32>], vector<16xi32>,
      %parallel_loop3A_146 = arith.index_cast %parallel_loop3A_106 : i32 to index
      %parallel_loop3A_147 = arith.constant 80 : index
      %parallel_loop3A_148 = tpu.vector_load %arg8[%parallel_loop3A_146, %parallel_loop3A_147] {strides = array<i32>} : memref<40x128xi32, #tpu.memory_space<vmem>>, vector<16xi32>,
      tpu.vector_store %arg8[%parallel_loop3A_146, %parallel_loop3A_147], %parallel_loop3A_145 {strides = array<i32>} : memref<40x128xi32, #tpu.memory_space<vmem>>, vector<16xi32>,
      %parallel_loop3A_149 = arith.index_cast %parallel_loop3A_106 : i32 to index
      %parallel_loop3A_150 = arith.constant 96 : index
      %parallel_loop3A_151 = tpu.vector_load %arg8[%parallel_loop3A_149, %parallel_loop3A_150] {strides = array<i32>} : memref<40x128xi32, #tpu.memory_space<vmem>>, vector<16xi32>,
      %parallel_loop3A_152 = tpu.vector_load_idx %arg6[%parallel_loop3A_151] : memref<100096xi32, #tpu.memory_space<vmem>>[vector<16xi32>], vector<16xi32>,
      %parallel_loop3A_153 = arith.index_cast %parallel_loop3A_106 : i32 to index
      %parallel_loop3A_154 = arith.constant 96 : index
      %parallel_loop3A_155 = tpu.vector_load %arg8[%parallel_loop3A_153, %parallel_loop3A_154] {strides = array<i32>} : memref<40x128xi32, #tpu.memory_space<vmem>>, vector<16xi32>,
      tpu.vector_store %arg8[%parallel_loop3A_153, %parallel_loop3A_154], %parallel_loop3A_152 {strides = array<i32>} : memref<40x128xi32, #tpu.memory_space<vmem>>, vector<16xi32>,
      %parallel_loop3A_156 = arith.index_cast %parallel_loop3A_106 : i32 to index
      %parallel_loop3A_157 = arith.constant 112 : index
      %parallel_loop3A_158 = tpu.vector_load %arg8[%parallel_loop3A_156, %parallel_loop3A_157] {strides = array<i32>} : memref<40x128xi32, #tpu.memory_space<vmem>>, vector<16xi32>,
      %parallel_loop3A_159 = tpu.vector_load_idx %arg6[%parallel_loop3A_158] : memref<100096xi32, #tpu.memory_space<vmem>>[vector<16xi32>], vector<16xi32>,
      %parallel_loop3A_160 = arith.index_cast %parallel_loop3A_106 : i32 to index
      %parallel_loop3A_161 = arith.constant 112 : index
      %parallel_loop3A_162 = tpu.vector_load %arg8[%parallel_loop3A_160, %parallel_loop3A_161] {strides = array<i32>} : memref<40x128xi32, #tpu.memory_space<vmem>>, vector<16xi32>,
      tpu.vector_store %arg8[%parallel_loop3A_160, %parallel_loop3A_161], %parallel_loop3A_159 {strides = array<i32>} : memref<40x128xi32, #tpu.memory_space<vmem>>, vector<16xi32>,
    } {sc.loop_unroll_factor = 4 : i64, sc.parallel_access}
    %dma_start3A_79 = arith.constant 120 : i32
    %dma_start3A_80 = tpu.memref_slice %arg4[%dma_start3A_79, %mul3A_2] : memref<200x4096xi32, #tpu.memory_space<hbm>> -> memref<40x128xi32, #tpu.memory_space<hbm>>
    %dma_start3A_81 = arith.constant 120 : i32
    %dma_start3A_82 = tpu.memref_slice %arg4[%dma_start3A_81, %mul3A_2] : memref<200x4096xi32, #tpu.memory_space<hbm>> -> memref<40x128xi32, #tpu.memory_space<hbm>>
    tpu.enqueue_dma source(%arg8 : memref<40x128xi32, #tpu.memory_space<vmem>>) target(%dma_start3A_82 : memref<40x128xi32, #tpu.memory_space<hbm>>) target_semaphore(%arg15 : memref<!tpu.dma_semaphore, #tpu.memory_space<semaphore_mem>>)
    %dma_wait3A_83 = arith.constant 160 : i32
    %dma_wait3A_84 = tpu.memref_slice %arg2[%dma_wait3A_83, %mul3A_2] : memref<200x4096xi32, #tpu.memory_space<hbm>> -> memref<40x128xi32, #tpu.memory_space<hbm>>
    %dma_wait3A_85 = arith.constant 160 : i32
    %dma_wait3A_86 = tpu.memref_slice %arg2[%dma_wait3A_85, %mul3A_2] : memref<200x4096xi32, #tpu.memory_space<hbm>> -> memref<40x128xi32, #tpu.memory_space<hbm>>
    tpu.wait_dma2 semaphore(%arg13 : memref<!tpu.dma_semaphore, #tpu.memory_space<semaphore_mem>>) src(%dma_wait3A_86 : memref<40x128xi32, #tpu.memory_space<hbm>>) dst(%arg9 : memref<40x128xi32, #tpu.memory_space<vmem>>)
    %parallel_loop3A_87 = arith.constant 0 : i32
    %parallel_loop3A_88 = arith.constant 40 : i32
    %parallel_loop3A_89 = arith.constant 1 : i32
    scf.for %parallel_loop3A_106 = %parallel_loop3A_87 to %parallel_loop3A_88 step %parallel_loop3A_89  : i32 {
      %parallel_loop3A_107 = arith.index_cast %parallel_loop3A_106 : i32 to index
      %parallel_loop3A_108 = arith.constant 0 : index
      %parallel_loop3A_109 = tpu.vector_load %arg9[%parallel_loop3A_107, %parallel_loop3A_108] {strides = array<i32>} : memref<40x128xi32, #tpu.memory_space<vmem>>, vector<16xi32>,
      %parallel_loop3A_110 = tpu.vector_load_idx %arg6[%parallel_loop3A_109] : memref<100096xi32, #tpu.memory_space<vmem>>[vector<16xi32>], vector<16xi32>,
      %parallel_loop3A_111 = arith.index_cast %parallel_loop3A_106 : i32 to index
      %parallel_loop3A_112 = arith.constant 0 : index
      %parallel_loop3A_113 = tpu.vector_load %arg9[%parallel_loop3A_111, %parallel_loop3A_112] {strides = array<i32>} : memref<40x128xi32, #tpu.memory_space<vmem>>, vector<16xi32>,
      tpu.vector_store %arg9[%parallel_loop3A_111, %parallel_loop3A_112], %parallel_loop3A_110 {strides = array<i32>} : memref<40x128xi32, #tpu.memory_space<vmem>>, vector<16xi32>,
      %parallel_loop3A_114 = arith.index_cast %parallel_loop3A_106 : i32 to index
      %parallel_loop3A_115 = arith.constant 16 : index
      %parallel_loop3A_116 = tpu.vector_load %arg9[%parallel_loop3A_114, %parallel_loop3A_115] {strides = array<i32>} : memref<40x128xi32, #tpu.memory_space<vmem>>, vector<16xi32>,
      %parallel_loop3A_117 = tpu.vector_load_idx %arg6[%parallel_loop3A_116] : memref<100096xi32, #tpu.memory_space<vmem>>[vector<16xi32>], vector<16xi32>,
      %parallel_loop3A_118 = arith.index_cast %parallel_loop3A_106 : i32 to index
      %parallel_loop3A_119 = arith.constant 16 : index
      %parallel_loop3A_120 = tpu.vector_load %arg9[%parallel_loop3A_118, %parallel_loop3A_119] {strides = array<i32>} : memref<40x128xi32, #tpu.memory_space<vmem>>, vector<16xi32>,
      tpu.vector_store %arg9[%parallel_loop3A_118, %parallel_loop3A_119], %parallel_loop3A_117 {strides = array<i32>} : memref<40x128xi32, #tpu.memory_space<vmem>>, vector<16xi32>,
      %parallel_loop3A_121 = arith.index_cast %parallel_loop3A_106 : i32 to index
      %parallel_loop3A_122 = arith.constant 32 : index
      %parallel_loop3A_123 = tpu.vector_load %arg9[%parallel_loop3A_121, %parallel_loop3A_122] {strides = array<i32>} : memref<40x128xi32, #tpu.memory_space<vmem>>, vector<16xi32>,
      %parallel_loop3A_124 = tpu.vector_load_idx %arg6[%parallel_loop3A_123] : memref<100096xi32, #tpu.memory_space<vmem>>[vector<16xi32>], vector<16xi32>,
      %parallel_loop3A_125 = arith.index_cast %parallel_loop3A_106 : i32 to index
      %parallel_loop3A_126 = arith.constant 32 : index
      %parallel_loop3A_127 = tpu.vector_load %arg9[%parallel_loop3A_125, %parallel_loop3A_126] {strides = array<i32>} : memref<40x128xi32, #tpu.memory_space<vmem>>, vector<16xi32>,
      tpu.vector_store %arg9[%parallel_loop3A_125, %parallel_loop3A_126], %parallel_loop3A_124 {strides = array<i32>} : memref<40x128xi32, #tpu.memory_space<vmem>>, vector<16xi32>,
      %parallel_loop3A_128 = arith.index_cast %parallel_loop3A_106 : i32 to index
      %parallel_loop3A_129 = arith.constant 48 : index
      %parallel_loop3A_130 = tpu.vector_load %arg9[%parallel_loop3A_128, %parallel_loop3A_129] {strides = array<i32>} : memref<40x128xi32, #tpu.memory_space<vmem>>, vector<16xi32>,
      %parallel_loop3A_131 = tpu.vector_load_idx %arg6[%parallel_loop3A_130] : memref<100096xi32, #tpu.memory_space<vmem>>[vector<16xi32>], vector<16xi32>,
      %parallel_loop3A_132 = arith.index_cast %parallel_loop3A_106 : i32 to index
      %parallel_loop3A_133 = arith.constant 48 : index
      %parallel_loop3A_134 = tpu.vector_load %arg9[%parallel_loop3A_132, %parallel_loop3A_133] {strides = array<i32>} : memref<40x128xi32, #tpu.memory_space<vmem>>, vector<16xi32>,
      tpu.vector_store %arg9[%parallel_loop3A_132, %parallel_loop3A_133], %parallel_loop3A_131 {strides = array<i32>} : memref<40x128xi32, #tpu.memory_space<vmem>>, vector<16xi32>,
      %parallel_loop3A_135 = arith.index_cast %parallel_loop3A_106 : i32 to index
      %parallel_loop3A_136 = arith.constant 64 : index
      %parallel_loop3A_137 = tpu.vector_load %arg9[%parallel_loop3A_135, %parallel_loop3A_136] {strides = array<i32>} : memref<40x128xi32, #tpu.memory_space<vmem>>, vector<16xi32>,
      %parallel_loop3A_138 = tpu.vector_load_idx %arg6[%parallel_loop3A_137] : memref<100096xi32, #tpu.memory_space<vmem>>[vector<16xi32>], vector<16xi32>,
      %parallel_loop3A_139 = arith.index_cast %parallel_loop3A_106 : i32 to index
      %parallel_loop3A_140 = arith.constant 64 : index
      %parallel_loop3A_141 = tpu.vector_load %arg9[%parallel_loop3A_139, %parallel_loop3A_140] {strides = array<i32>} : memref<40x128xi32, #tpu.memory_space<vmem>>, vector<16xi32>,
      tpu.vector_store %arg9[%parallel_loop3A_139, %parallel_loop3A_140], %parallel_loop3A_138 {strides = array<i32>} : memref<40x128xi32, #tpu.memory_space<vmem>>, vector<16xi32>,
      %parallel_loop3A_142 = arith.index_cast %parallel_loop3A_106 : i32 to index
      %parallel_loop3A_143 = arith.constant 80 : index
      %parallel_loop3A_144 = tpu.vector_load %arg9[%parallel_loop3A_142, %parallel_loop3A_143] {strides = array<i32>} : memref<40x128xi32, #tpu.memory_space<vmem>>, vector<16xi32>,
      %parallel_loop3A_145 = tpu.vector_load_idx %arg6[%parallel_loop3A_144] : memref<100096xi32, #tpu.memory_space<vmem>>[vector<16xi32>], vector<16xi32>,
      %parallel_loop3A_146 = arith.index_cast %parallel_loop3A_106 : i32 to index
      %parallel_loop3A_147 = arith.constant 80 : index
      %parallel_loop3A_148 = tpu.vector_load %arg9[%parallel_loop3A_146, %parallel_loop3A_147] {strides = array<i32>} : memref<40x128xi32, #tpu.memory_space<vmem>>, vector<16xi32>,
      tpu.vector_store %arg9[%parallel_loop3A_146, %parallel_loop3A_147], %parallel_loop3A_145 {strides = array<i32>} : memref<40x128xi32, #tpu.memory_space<vmem>>, vector<16xi32>,
      %parallel_loop3A_149 = arith.index_cast %parallel_loop3A_106 : i32 to index
      %parallel_loop3A_150 = arith.constant 96 : index
      %parallel_loop3A_151 = tpu.vector_load %arg9[%parallel_loop3A_149, %parallel_loop3A_150] {strides = array<i32>} : memref<40x128xi32, #tpu.memory_space<vmem>>, vector<16xi32>,
      %parallel_loop3A_152 = tpu.vector_load_idx %arg6[%parallel_loop3A_151] : memref<100096xi32, #tpu.memory_space<vmem>>[vector<16xi32>], vector<16xi32>,
      %parallel_loop3A_153 = arith.index_cast %parallel_loop3A_106 : i32 to index
      %parallel_loop3A_154 = arith.constant 96 : index
      %parallel_loop3A_155 = tpu.vector_load %arg9[%parallel_loop3A_153, %parallel_loop3A_154] {strides = array<i32>} : memref<40x128xi32, #tpu.memory_space<vmem>>, vector<16xi32>,
      tpu.vector_store %arg9[%parallel_loop3A_153, %parallel_loop3A_154], %parallel_loop3A_152 {strides = array<i32>} : memref<40x128xi32, #tpu.memory_space<vmem>>, vector<16xi32>,
      %parallel_loop3A_156 = arith.index_cast %parallel_loop3A_106 : i32 to index
      %parallel_loop3A_157 = arith.constant 112 : index
      %parallel_loop3A_158 = tpu.vector_load %arg9[%parallel_loop3A_156, %parallel_loop3A_157] {strides = array<i32>} : memref<40x128xi32, #tpu.memory_space<vmem>>, vector<16xi32>,
      %parallel_loop3A_159 = tpu.vector_load_idx %arg6[%parallel_loop3A_158] : memref<100096xi32, #tpu.memory_space<vmem>>[vector<16xi32>], vector<16xi32>,
      %parallel_loop3A_160 = arith.index_cast %parallel_loop3A_106 : i32 to index
      %parallel_loop3A_161 = arith.constant 112 : index
      %parallel_loop3A_162 = tpu.vector_load %arg9[%parallel_loop3A_160, %parallel_loop3A_161] {strides = array<i32>} : memref<40x128xi32, #tpu.memory_space<vmem>>, vector<16xi32>,
      tpu.vector_store %arg9[%parallel_loop3A_160, %parallel_loop3A_161], %parallel_loop3A_159 {strides = array<i32>} : memref<40x128xi32, #tpu.memory_space<vmem>>, vector<16xi32>,
    } {sc.loop_unroll_factor = 4 : i64, sc.parallel_access}
    %dma_start3A_90 = arith.constant 160 : i32
    %dma_start3A_91 = tpu.memref_slice %arg4[%dma_start3A_90, %mul3A_2] : memref<200x4096xi32, #tpu.memory_space<hbm>> -> memref<40x128xi32, #tpu.memory_space<hbm>>
    %dma_start3A_92 = arith.constant 160 : i32
    %dma_start3A_93 = tpu.memref_slice %arg4[%dma_start3A_92, %mul3A_2] : memref<200x4096xi32, #tpu.memory_space<hbm>> -> memref<40x128xi32, #tpu.memory_space<hbm>>
    tpu.enqueue_dma source(%arg9 : memref<40x128xi32, #tpu.memory_space<vmem>>) target(%dma_start3A_93 : memref<40x128xi32, #tpu.memory_space<hbm>>) target_semaphore(%arg16 : memref<!tpu.dma_semaphore, #tpu.memory_space<semaphore_mem>>)
    %dma_wait3A_94 = arith.constant 80 : i32
    %dma_wait3A_95 = tpu.memref_slice %arg4[%dma_wait3A_94, %mul3A_2] : memref<200x4096xi32, #tpu.memory_space<hbm>> -> memref<40x128xi32, #tpu.memory_space<hbm>>
    %dma_wait3A_96 = arith.constant 80 : i32
    %dma_wait3A_97 = tpu.memref_slice %arg4[%dma_wait3A_96, %mul3A_2] : memref<200x4096xi32, #tpu.memory_space<hbm>> -> memref<40x128xi32, #tpu.memory_space<hbm>>
    tpu.wait_dma2 semaphore(%arg17 : memref<!tpu.dma_semaphore, #tpu.memory_space<semaphore_mem>>) src(%arg10 : memref<40x128xi32, #tpu.memory_space<vmem>>) dst(%dma_wait3A_97 : memref<40x128xi32, #tpu.memory_space<hbm>>)
    %dma_wait3A_98 = arith.constant 120 : i32
    %dma_wait3A_99 = tpu.memref_slice %arg4[%dma_wait3A_98, %mul3A_2] : memref<200x4096xi32, #tpu.memory_space<hbm>> -> memref<40x128xi32, #tpu.memory_space<hbm>>
    %dma_wait3A_100 = arith.constant 120 : i32
    %dma_wait3A_101 = tpu.memref_slice %arg4[%dma_wait3A_100, %mul3A_2] : memref<200x4096xi32, #tpu.memory_space<hbm>> -> memref<40x128xi32, #tpu.memory_space<hbm>>
    tpu.wait_dma2 semaphore(%arg15 : memref<!tpu.dma_semaphore, #tpu.memory_space<semaphore_mem>>) src(%arg8 : memref<40x128xi32, #tpu.memory_space<vmem>>) dst(%dma_wait3A_101 : memref<40x128xi32, #tpu.memory_space<hbm>>)
    %dma_wait3A_102 = arith.constant 160 : i32
    %dma_wait3A_103 = tpu.memref_slice %arg4[%dma_wait3A_102, %mul3A_2] : memref<200x4096xi32, #tpu.memory_space<hbm>> -> memref<40x128xi32, #tpu.memory_space<hbm>>
    %dma_wait3A_104 = arith.constant 160 : i32
    %dma_wait3A_105 = tpu.memref_slice %arg4[%dma_wait3A_104, %mul3A_2] : memref<200x4096xi32, #tpu.memory_space<hbm>> -> memref<40x128xi32, #tpu.memory_space<hbm>>
    tpu.wait_dma2 semaphore(%arg16 : memref<!tpu.dma_semaphore, #tpu.memory_space<semaphore_mem>>) src(%arg9 : memref<40x128xi32, #tpu.memory_space<vmem>>) dst(%dma_wait3A_105 : memref<40x128xi32, #tpu.memory_space<hbm>>)
    return
  }
}

</mosaic_0001>

<sc_bundles>
// kernel: kernel.3.cloned.1.call-start
scs
__scs_entry_jumppad:
0x0: {  	(pc) =	sbr.rel $0x88, $3  }
0x1: {  	(tag) =	ssettag $0x0;
	lr =	simm.s32 $0x1  }
0x2: {  	[smem:$0x3F9F] =	sst lr;
	_ =	strace $0xD0000000  }
0x3: {  	_ = 	snop  }
0x4: {  	_ = 	snop  }
0x5: {  	_ = 	snop  }
0x6: {  	_ = 	snop  }
0x7: {  	_ = 	snop  }
__scs_overlays_trampoline_lowered:
0x8: {  	[smem:$0x3FAE] =	sst s0  }
0x9: {  	[smem:$0x3FAF] =	sst s1  }
0xa: {  	[smem:$0x3FB0] =	sst s2  }
0xb: {  	[smem:$0x3FB1] =	sst s3  }
0xc: {  	[smem:$0x3FB2] =	sst s4  }
0xd: {  	[smem:$0x3FB3] =	sst s5  }
0xe: {  	[smem:$0x3FB4] =	sst s6  }
0xf: {  	[smem:$0x3FB5] =	sst s7  }
0x10: {  	[smem:$0x3FB6] =	sst s8  }
0x11: {  	[smem:$0x3FB7] =	sst s9;
	s0 =	simm.s32 @!p0 $0x0  }
0x12: {  	s1 =	sld [smem:$0x3F9D];
	s0 =	simm.s32 @p0 $0x1  }
0x13: {  	[smem:$0x3FB8] =	sst s0;
	s0 =	simm.s32 @!p1 $0x0  }
0x14: {  	s2 =	sld [smem:$0x3F9C];
	s0 =	simm.s32 @p1 $0x1  }
0x15: {  	[smem:$0x3FB9] =	sst s0;
	s0 =	simm.s32 @!p2 $0x0  }
0x16: {  	s3 =	sld [smem:$0x3FDB];
	s0 =	simm.s32 @p2 $0x1  }
0x17: {  	s4 =	simm.s32 $0x1BF5;
	[smem:$0x3FBB] =	sst s0  }
0x18: {  	s0 =	sld [smem:$0x3F9E];
	_ =	swait.ge [sflag:s4], $0x0  }
0x19: {  	s7 =	sld [smem:$0x3F9F]  }
0x1a: {  	s8 =	sadd.s32 $0xFFFFE003, lr  }
0x1b: {  	s9 =	sadd.s32 $0xFFFFFEF7, lr;
	s5 =	simm.s32 $0xFFFFFFFF;
	p2 =	slt.u32 s8, $0xFFFFF086  }
0x1c: {  	p1 =	slt.u32 s9, $0xF7A;
	s5 =	simm.s32 @!p2 $0x0  }
0x1d: {  	s5 =	simm.s32 @p1 $0x1;
	p0 =	seq.s32 s7, s2  }
0x1e: {  	s7 =	smul.u32 @!p0 $0xF7A, s2;
	p2 =	seq.s32 @!p0 s5, $0x0  }
0x1f: {  	s9 =	smul.u32 $0xF7A, s1;
	s8 =	simm.s32 @!p0 $0x1BF5;
	p2 =	por !p2, p0  }
0x20: {  	[sflag:s8] =	ssyncset.s32 @!p0 $0xFFFFF086;
	s6 =	sadd.s32 @!p0 s3, s7;
	s7 =	simm.s32 @!p0 $0x108  }
0x21: {  	s3 =	sadd.s32 s3, s9;
	s6 =	sadd.s32 @!p0 $0x88, s6;
	s7 =	simm.s32 @p2 $0x1082  }
0x22: {  	[simem:s7], [sflag:s8] =	dma.local @!p0 [hbm:s6], $0xF7A  }
0x23: {  	s9 =	sor.u32 $0xD0000000, s2;
	s6 =	simm.s32 $0x108;
	_ =	swait.ge @!p0 [sflag:s8], $0x0  }
0x24: {  	s3 =	sadd.s32 $0x88, s3;
	s6 =	simm.s32 @!p1 $0x1082;
	[sflag:s4] =	ssyncset.s32 $0xFFFFF086  }
0x25: {  	[simem:s6], [sflag:s4] =	dma.local [hbm:s3], $0xF7A  }
0x26: {  	[smem:$0x3F9F] =	sst s1;
	(tag) =	ssettag s2;
	_ =	strace s9  }
0x27: {  	s1 =	sld [smem:$0x3FAF]  }
0x28: {  	s2 =	sld [smem:$0x3FB0]  }
0x29: {  	s4 =	sld [smem:$0x3FB2]  }
0x2a: {  	p0 =	seq.s32 s5, $0x0;
	s5 =	sld [smem:$0x3FB3]  }
0x2b: {  	s6 =	sld [smem:$0x3FB4]  }
0x2c: {  	s7 =	sld [smem:$0x3FB5]  }
0x2d: {  	s3 =	simm.s32 $0x108;
	s8 =	sld [smem:$0x3FB6]  }
0x2e: {  	s3 =	simm.s32 @!p0 $0x1082;
	s9 =	sld [smem:$0x3FB7]  }
0x2f: {  	lr =	sadd.s32 s0, s3;
	s0 =	sld [smem:$0x3FAE]  }
0x30: {  	s3 =	sld [smem:$0x3FB1]  }
0x31: {  	[smem:$0x3FBA] =	sst s10  }
0x32: {  	s10 =	sld [smem:$0x3FB8];
	_ =	sdelay $0x3  }
0x33: {  	p0 =	seq.s32 s10, $0x1;
	s10 =	sld [smem:$0x3FBA];
	_ =	sdelay $0x3  }
0x34: {  	[smem:$0x3FBA] =	sst s10  }
0x35: {  	s10 =	sld [smem:$0x3FB9];
	_ =	sdelay $0x3  }
0x36: {  	p1 =	seq.s32 s10, $0x1;
	s10 =	sld [smem:$0x3FBA];
	_ =	sdelay $0x3  }
0x37: {  	[smem:$0x3FBA] =	sst s10  }
0x38: {  	s10 =	sld [smem:$0x3FBB]  }
0x39: {  	_ = 	snop;
	(pc) =	sbr.ind lr, $3  }
0x3a: {  	_ = 	snop  }
0x3b: {  	_ = 	snop  }
0x3c: {  	p2 =	seq.s32 s10, $0x1;
	s10 =	sld [smem:$0x3FBA]  }
0x3d: {  	_ =	shalt  }
0x3e: {  	_ =	shalt  }
0x3f: {  	_ =	shalt  }
0x40: {  	_ =	shalt  }
0x41: {  	_ =	shalt  }
0x42: {  	_ =	shalt  }
0x43: {  	_ =	shalt  }
0x44: {  	_ =	shalt  }
0x45: {  	_ =	shalt  }
0x46: {  	_ =	shalt  }
0x47: {  	_ =	shalt  }
0x48: {  	_ =	shalt  }
0x49: {  	_ =	shalt  }
0x4a: {  	_ =	shalt  }
0x4b: {  	_ =	shalt  }
0x4c: {  	_ =	shalt  }
0x4d: {  	_ =	shalt  }
0x4e: {  	_ =	shalt  }
0x4f: {  	_ =	shalt  }
0x50: {  	_ =	shalt  }
0x51: {  	_ =	shalt  }
0x52: {  	_ =	shalt  }
0x53: {  	_ =	shalt  }
0x54: {  	_ =	shalt  }
0x55: {  	_ =	shalt  }
0x56: {  	_ =	shalt  }
0x57: {  	_ =	shalt  }
0x58: {  	_ =	shalt  }
0x59: {  	_ =	shalt  }
0x5a: {  	_ =	shalt  }
0x5b: {  	_ =	shalt  }
0x5c: {  	_ =	shalt  }
0x5d: {  	_ =	shalt  }
0x5e: {  	_ =	shalt  }
0x5f: {  	_ =	shalt  }
0x60: {  	_ =	shalt  }
0x61: {  	_ =	shalt  }
0x62: {  	_ =	shalt  }
0x63: {  	_ =	shalt  }
0x64: {  	_ =	shalt  }
0x65: {  	_ =	shalt  }
0x66: {  	_ =	shalt  }
0x67: {  	_ =	shalt  }
0x68: {  	_ =	shalt  }
0x69: {  	_ =	shalt  }
0x6a: {  	_ =	shalt  }
0x6b: {  	_ =	shalt  }
0x6c: {  	_ =	shalt  }
0x6d: {  	_ =	shalt  }
0x6e: {  	_ =	shalt  }
0x6f: {  	_ =	shalt  }
0x70: {  	_ =	shalt  }
0x71: {  	_ =	shalt  }
0x72: {  	_ =	shalt  }
0x73: {  	_ =	shalt  }
0x74: {  	_ =	shalt  }
0x75: {  	_ =	shalt  }
0x76: {  	_ =	shalt  }
0x77: {  	_ =	shalt  }
0x78: {  	_ =	shalt  }
0x79: {  	_ =	shalt  }
0x7a: {  	_ =	shalt  }
0x7b: {  	_ =	shalt  }
0x7c: {  	_ =	shalt  }
0x7d: {  	_ =	shalt  }
0x7e: {  	_ =	shalt  }
0x7f: {  	_ =	shalt  }
0x80: {  	_ =	shalt  }
0x81: {  	_ =	shalt  }
0x82: {  	_ =	shalt  }
0x83: {  	_ =	shalt  }
0x84: {  	_ =	shalt  }
0x85: {  	_ =	shalt  }
0x86: {  	_ =	shalt  }
0x87: {  	_ =	shalt  }
.Lfunc_end0:
.L_simem_size_0:
called_computation_lowered:
.L_overlay_start_0:
0x88: {  	s2 =	sld [smem:$0x3FD9]  }
0x89: {  	s3 =	sld [smem:$0x3FFE];
	_ =	sdelay $0x1  }
0x8a: {  	s1 =	srdreg.scid  }
0x8b: {  	s0 =	sand.u32 $0x1, s1  }
0x8c: {  	s18 =	sshll.u32 s0, $0xA;
	s2 =	sadd.s32 s3, s2  }
0x8d: {  	s2 =	sadd.s32 s2, s18  }
0x8e: {  	[smem:$0x3FC6] =	sst s2  }
0x8f: {  	_ = 	snop  }
0x90: {  	s2 =	sld [smem:$0x3FC9]  }
0x91: {  	s19 =	sld [smem:$0x3FC8]  }
0x92: {  	s4 =	sld [smem:$0x3FD0];
	(tm) =	ssettm $0x1  }
0x93: {  	s5 =	sld [smem:$0x3FFB];
	_ =	sdelay $0x3  }
0x94: {  	_ =	strace s5  }
0x95: {  	s5 =	sld [smem:$0x3FFC];
	_ =	sdelay $0x3  }
0x96: {  	_ =	strace s5  }
0x97: {  	s5 =	sld [smem:$0x3FFD];
	_ =	sdelay $0x3  }
0x98: {  	_ =	strace s5  }
0x99: {  	_ =	strace $0x8FFFFFFF  }
0x9a: {  	s20 =	sld [smem:$0x3FDB];
	_ =	sdelay $0x1  }
0x9b: {  	s6 =	simm.s32 $_scs_section_size  }
0x9c: {  	s7 =	simm.s32 $_size__tile_overlayer_lowered;
	s8 =	simm.s32 $_tile_overlayer_lowered  }
0x9d: {  	s23 =	simm.s32 $0x1BFF;
	s22 =	sshll.u32 s8, $0x1;
	s5 =	sadd.s32 s6, s20  }
0x9e: {  	s9 =	simm.s32 $0x0;
	s21 =	sshll.u32 s7, $0x1;
	s7 =	sadd.s32 s22, s5  }
0x9f: {  	[timem:s9], [sflag:s23] =	dma.local [hbm:s7], s21  }
0xa0: {  	_ =	swait.ge [sflag:s23], s21  }
0xa1: {  	s6 =	ssub.s32 $0x0, s21;
	[sflag:s23] =	ssyncset.done $0x0  }
0xa2: {  	[sflag:s23] =	ssyncadd.s32 s6;
	_ =	sdelay $0x1  }
0xa3: {  	s24 =	simm.s32 $0x1B8B  }
0xa4: {  	_ =	swait.ge [sflag:s24], $0x1  }
0xa5: {  	[sflag:s24] =	ssyncset.done $0x0  }
0xa6: {  	s25 =	simm.s32 $0x1B8E;
	[sflag:s24] =	ssyncadd.s32 $0xFFFFFFFF  }
0xa7: {  	s26 =	simm.s32 $execute0_lowered;
	[smem:$0x3FD2] =	sst s25  }
0xa8: {  	s6 =	sshll.u32 s26, $0x1;
	_ =	strace $0x80000046;
	[dreg:$0x1] =	wrdreg $0xFFFFFFFF  }
0xa9: {  	s28 =	simm.s32 $_size_execute0_lowered;
	s5 =	sadd.s32 s5, s6;
	[dreg:$0x0] =	wrdreg $0x0  }
0xaa: {  	s6 =	sshll.u32 s28, $0x1;
	[dreg:$0x2] =	wrdreg s5  }
0xab: {  	[dreg:$0x3] =	wrdreg s6  }
0xac: {  	[dreg:$0x4] =	wrdreg $0xC0  }
0xad: {  	_ =	task [dreg:s9], $0x5FFFF  }
0xae: {  	[dreg:$0x1] =	wrdreg $0xFFFFFFFF  }
0xaf: {  	[dreg:$0x0] =	wrdreg $0x60  }
0xb0: {  	[dreg:$0x2] =	wrdreg s2  }
0xb1: {  	[dreg:$0x3] =	wrdreg s19  }
0xb2: {  	[dreg:$0x4] =	wrdreg s4  }
0xb3: {  	[dreg:$0x5] =	wrdreg $0x0  }
0xb4: {  	[dreg:$0x6] =	wrdreg $0x9  }
0xb5: {  	_ =	task.clear_ibuf [dreg:s9], $0x7FFFF;
	_ =	strace $0x90000046  }
0xb6: {  	s29 =	simm.s32 $0x9;
	_ =	strace $0x80000048  }
0xb7: {  	_ =	swait.ge [sflag:s29], $0x1  }
0xb8: {  	[sflag:s29] =	ssyncadd.s32 $0xFFFFFFFF  }
0xb9: {  	_ =	strace $0x90000048  }
0xba: {  	_ =	sfence  }
0xbb: {  	s30 =	sld [smem:$0x0];
	_ =	sdelay $0x2  }
0xbc: {  	s31 =	sshll.u32 s1, $0xD;
	s1 =	sshrl.u32 s1, $0x2  }
0xbd: {  	s3 =	sand.u32 $0x4000, s31;
	s1 =	sadd.s32 s1, s30  }
0xbe: {  	s0 =	sor.u32 s3, s0;
	s1 =	sshll.u32 s1, $0x11  }
0xbf: {  	s0 =	sor.u32 s1, s0  }
0xc0: {  	s0 =	sadd.s32 $0x8F2B, s0  }
0xc1: {  	[sflag:s0] =	ssyncadd.remote.s32 $0x1  }
0xc2: {  	_ =	sfence.sel $0xFFFF  }
0xc3: {  	[dreg:$0x0] =	wrdreg $0xFFFFFFFF;
	(pc) =	sbr.abs _section_cstart, $3  }
0xc4: {  	[dreg:$0x1] =	wrdreg $0xFFFFFFFF  }
0xc5: {  	_ =	task.clear_ibuf [dreg:s9], $0x2FFFF;
	_ =	strace $0x9FFFFFFF  }
0xc6: {  	(tm) =	ssettm $0x7FFFFFFF  }
0xc7: {  	_ =	shalt  }
tec
execute0_lowered:
.L_overlay_start_1:
0x0: {  	(tag) =	ssettag $0x1  }
0x1: {  	s0 =	rddreg [dreg:$0x0]  }
0x2: {  	s1 =	rddreg [dreg:$0x1]  }
0x3: {  	s2 =	rddreg [dreg:$0x2]  }
0x4: {  	s9 =	rddreg [dreg:$0x3];
	s3 =	srdreg.scid;
	s4 =	simm.s32 $0x0  }
0x5: {  	s6 =	stileid.u32;
	s18 =	simm.s32 $0x400;
	s19 =	simm.s32 $0x8000  }
0x6: {  	s20 =	simm.s32 $0x1B7F0;
	s21 =	simm.s32 $0x1CBF0;
	s28 =	simm.s32 $0x5  }
0x7: {  	s29 =	simm.s32 $0x3;
	s30 =	simm.s32 $0x6;
	s31 =	simm.s32 $0x4  }
0x8: {  	s3 =	sand.u32 $0x1, s3;
	[smem:$0x7FF] =	sst s4;
	s8 =	smul.u32 $0x1870, s6  }
0x9: {  	p0 =	seq.s32 s6, $0xF;
	s6 =	sshll.u32 s6, $0x8;
	s23 =	ssub.s32 $0x2, s3  }
0xa: {  	_ =	strace $0x80000047;
	s3 =	sshll.u32 s3, $0x7;
	s5 =	sshrl.u32 s23, $0x1  }
0xb: {  	s8 =	simm.s32 @p0 $0x16E30;
	s3 =	sor.u32 s3, s6;
	s16 =	ssub.s32 s23, s5  }
0xc: {  	s24 =	sshrl.u32 s8, $0x3;
	s25 =	sor.u32 $0x5000, s3;
	s13 =	sor.u32 $0xA000, s3  }
0xd: {  	s5 =	sadd.s32 s0, s3;
	s8 =	sadd.s32 s8, s9;
	s9 =	sadd.s32 s2, s3  }
0xe: {  	s14 =	sor.u32 $0xF000, s3;
	s26 =	sor.u32 $0x14000, s3;
	s23 =	simm.s32 $0x1  }
0xf: {  	s4 =	sadd.s32 s1, s24;
	s6 =	sadd.s32 s0, s25;
	s7 =	sadd.s32 s0, s13  }
0x10: {  	s10 =	sadd.s32 s0, s14;
	s11 =	sadd.s32 s2, s25;
	s12 =	sadd.s32 s0, s26  }
0x11: {  	s13 =	sadd.s32 s2, s13;
	s14 =	sadd.s32 s2, s14;
	s15 =	sadd.s32 s2, s26  }
0x12: {  	s16 =	smax.u32 s16, $0x1;
	s24 =	simm.s32 $0x1870;
	s25 =	simm.s32 $0x8  }
0x13: {  	s26 =	simm.s32 $0x2;
	s0 =	simm.s32 $0x7;
	s1 =	simm.s32 $0x0  }
.LBB2_1:
0x14: {  	s2 =	simm.s32 $0x0;
	s3 =	simm.s32 $0x19F70  }
0x15: {  	[tilespmem:s3], [sflag:$0x1] =	stream.linear.gather [hbm4b:s4+s2], $0x1870, $0x38;
	[tilespmem:$0x1F3F0] =	vst v63  }
0x16: {  	_ = 	snop  }
0x17: {  	[tilespmem:s20], [sflag:$0x2] =	stream.strided.gather [hbm4b:s5+s18], $0x1400, s19, s18, $0x38;
	[tilespmem:$0x1F3F0] =	vst v63  }
0x18: {  	_ = 	snop  }
0x19: {  	[tilespmem:s21], [sflag:$0x3] =	stream.strided.gather [hbm4b:s6+s18], $0x1400, s19, s18, $0x38;
	[tilespmem:$0x1F3F0] =	vst v63  }
0x1a: {  	s17 =	simm.s32 $0x1DFF0  }
0x1b: {  	[tilespmem:s17], [sflag:$0x4] =	stream.strided.gather [hbm4b:s7+s18], $0x1400, s19, s18, $0x38;
	[tilespmem:$0x1F3F0] =	vst v63  }
0x1c: {  	_ =	swait.ge [sflag:s23], $0x1870  }
0x1d: {  	[sflag:s23] =	ssyncset.done $0x0  }
0x1e: {  	[sflag:s23] =	ssyncadd.s32 $0xFFFFE790  }
0x1f: {  	[spmem:s8] =	stream.linear.scatter [tilespmem:s3], [sflag:$0x1], $0x1870, $0x38;
	[tilespmem:$0x1F3F0] =	vst v63  }
0x20: {  	_ =	swait.ge [sflag:s23], $0x1870  }
0x21: {  	[sflag:s23] =	ssyncset.done $0x0  }
0x22: {  	[sflag:s23] =	ssyncadd.s32 $0xFFFFE790  }
0x23: {  	[bflag:$0x0] =	sbarrier.arrive $0xFFFF  }
0x24: {  	s22 =	rddreg [dreg:$0x3]  }
0x25: {  	[tilespmem:s24], [sflag:$0x8] =	stream.linear.gather [spmem:s22], $0x18700, $0x38;
	[tilespmem:$0x1F3F0] =	vst v63  }
0x26: {  	_ =	swait.ge [sflag:s25], $0x18700  }
0x27: {  	[sflag:s25] =	ssyncset.done $0x0  }
0x28: {  	[sflag:s25] =	ssyncadd.s32 $0xFFFE7900  }
0x29: {  	_ =	swait.ge [sflag:s26], $0x1400  }
0x2a: {  	[sflag:s26] =	ssyncset.done $0x0  }
0x2b: {  	s2 =	simm.s32 $0x1B8F0;
	[sflag:s26] =	ssyncadd.s32 $0xFFFFEC00  }
0x2c: {  	v0 =	vld [tilespmem:s2+$0x80]  }
0x2d: {  	v1 =	vld [tilespmem:s2+$0xFFFFFF80]  }
0x2e: {  	v2 =	vld [tilespmem:s2+$0x0]  }
0x2f: {  	v3 =	vld [tilespmem:s2+$0xFFFFFF00]  }
0x30: {  	v4 =	vld [tilespmem:s2+$0xFFFFFF10]  }
0x31: {  	v5 =	vld [tilespmem:s2+$0xFFFFFF90]  }
0x32: {  	v6 =	vld [tilespmem:s2+$0x10]  }
0x33: {  	v7 =	vld [tilespmem:s2+$0x90]  }
0x34: {  	v8 =	vld [tilespmem:s2+$0xFFFFFF20]  }
0x35: {  	s3 =	simm.s32 $0x1BAF0;
	v9 =	vld [tilespmem:s2+$0xFFFFFFA0]  }
0x36: {  	v49 =	vld [tilespmem:s3+$0xFFFFFF00]  }
0x37: {  	v10 =	vld [tilespmem:s3+$0xFFFFFF10]  }
0x38: {  	v11 =	vld [tilespmem:s3+$0xFFFFFF90]  }
0x39: {  	v12 =	vld [tilespmem:s3+$0x10]  }
0x3a: {  	v13 =	vld [tilespmem:s3+$0x90]  }
0x3b: {  	v14 =	vld [tilespmem:s3+$0xFFFFFF20]  }
0x3c: {  	v15 =	vld [tilespmem:s3+$0xFFFFFFA0]  }
0x3d: {  	v50 =	vld [tilespmem:s3+$0x20]  }
0x3e: {  	v51 =	vld [tilespmem:s3+$0xFFFFFF30]  }
0x3f: {  	v52 =	vld [tilespmem:s3+$0xFFFFFFB0]  }
0x40: {  	v53 =	vld [tilespmem:s3+$0x30]  }
0x41: {  	v54 =	vld [tilespmem:s3+$0xFFFFFF40]  }
0x42: {  	v55 =	vld [tilespmem:s3+$0x40]  }
0x43: {  	v56 =	vld [tilespmem:s3+$0xFFFFFF50]  }
0x44: {  	v1 =	vld.idx.msk [tilespmem:v1+s24+$0x0], $0xffff  }
0x45: {  	v3 =	vld.idx.msk [tilespmem:v3+s24+$0x0], $0xffff  }
0x46: {  	v2 =	vld.idx.msk [tilespmem:v2+s24+$0x0], $0xffff  }
0x47: {  	v57 =	vld [tilespmem:s3+$0xFFFFFFD0]  }
0x48: {  	v0 =	vld.idx.msk [tilespmem:v0+s24+$0x0], $0xffff  }
0x49: {  	v58 =	vld [tilespmem:s3+$0x50];
	[tilespmem:s2+$0xFFFFFF80] =	vst v1  }
0x4a: {  	[tilespmem:s2+$0xFFFFFF00] =	vst v3;
	v5 =	vld.idx.msk [tilespmem:v5+s24+$0x0], $0xffff  }
0x4b: {  	[tilespmem:s2+$0x0] =	vst v2;
	v3 =	vld.idx.msk [tilespmem:v4+s24+$0x0], $0xffff  }
0x4c: {  	v2 =	vld.idx.msk [tilespmem:v6+s24+$0x0], $0xffff  }
0x4d: {  	[tilespmem:s2+$0x80] =	vst v0;
	v4 =	vld [tilespmem:s2+$0x20]  }
0x4e: {  	v1 =	vld.idx.msk [tilespmem:v7+s24+$0x0], $0xffff  }
0x4f: {  	v6 =	vld [tilespmem:s2+$0xFFFFFF30];
	[tilespmem:s2+$0xFFFFFF90] =	vst v5  }
0x50: {  	[tilespmem:s2+$0xFFFFFF10] =	vst v3;
	v3 =	vld [tilespmem:s2+$0xFFFFFFB0]  }
0x51: {  	v5 =	vld.idx.msk [tilespmem:v9+s24+$0x0], $0xffff  }
0x52: {  	[tilespmem:s2+$0x10] =	vst v2;
	v2 =	vld.idx.msk [tilespmem:v8+s24+$0x0], $0xffff  }
0x53: {  	v7 =	vld [tilespmem:s2+$0x30]  }
0x54: {  	v60 =	vld [tilespmem:s3+$0xFFFFFFE0]  }
0x55: {  	v4 =	vld.idx.msk [tilespmem:v4+s24+$0x0], $0xffff  }
0x56: {  	[tilespmem:s2+$0xFFFFFFA0] =	vst v5;
	v5 =	vld [tilespmem:s2+$0xFFFFFF40]  }
0x57: {  	[tilespmem:s2+$0xFFFFFF20] =	vst v2;
	v2 =	vld [tilespmem:s2+$0xFFFFFFC0]  }
0x58: {  	v6 =	vld.idx.msk [tilespmem:v6+s24+$0x0], $0xffff  }
0x59: {  	v3 =	vld.idx.msk [tilespmem:v3+s24+$0x0], $0xffff  }
0x5a: {  	v0 =	vld [tilespmem:s2+$0xA0];
	[tilespmem:s2+$0x20] =	vst v4  }
0x5b: {  	v4 =	vld.idx.msk [tilespmem:v7+s24+$0x0], $0xffff  }
0x5c: {  	v7 =	vld [tilespmem:s2+$0x40]  }
0x5d: {  	[tilespmem:s2+$0xFFFFFF30] =	vst v6;
	v6 =	vld [tilespmem:s2+$0xFFFFFF50]  }
0x5e: {  	[tilespmem:s2+$0xFFFFFFB0] =	vst v3;
	v3 =	vld [tilespmem:s2+$0xFFFFFFD0]  }
0x5f: {  	v5 =	vld.idx.msk [tilespmem:v5+s24+$0x0], $0xffff  }
0x60: {  	v2 =	vld.idx.msk [tilespmem:v2+s24+$0x0], $0xffff  }
0x61: {  	v61 =	vld [tilespmem:s3+$0x60]  }
0x62: {  	[tilespmem:s2+$0x30] =	vst v4;
	v4 =	vld [tilespmem:s2+$0x50]  }
0x63: {  	[tilespmem:s2+$0x90] =	vst v1;
	v1 =	vld [tilespmem:s2+$0xB0]  }
0x64: {  	[tilespmem:s2+$0xFFFFFF40] =	vst v5;
	v5 =	vld.idx.msk [tilespmem:v7+s24+$0x0], $0xffff  }
0x65: {  	[tilespmem:s2+$0xFFFFFFC0] =	vst v2;
	v2 =	vld [tilespmem:s2+$0xFFFFFF60]  }
0x66: {  	v6 =	vld.idx.msk [tilespmem:v6+s24+$0x0], $0xffff  }
0x67: {  	v0 =	vld.idx.msk [tilespmem:v0+s24+$0x0], $0xffff  }
0x68: {  	v3 =	vld.idx.msk [tilespmem:v3+s24+$0x0], $0xffff  }
0x69: {  	[tilespmem:s2+$0x40] =	vst v5;
	v5 =	vld [tilespmem:s2+$0x60]  }
0x6a: {  	v4 =	vld.idx.msk [tilespmem:v4+s24+$0x0], $0xffff  }
0x6b: {  	[tilespmem:s2+$0xFFFFFF50] =	vst v6;
	v6 =	vld [tilespmem:s2+$0xFFFFFF70]  }
0x6c: {  	v62 =	vld [tilespmem:s3+$0xFFFFFF70]  }
0x6d: {  	v2 =	vld.idx.msk [tilespmem:v2+s24+$0x0], $0xffff  }
0x6e: {  	[tilespmem:s2+$0xFFFFFFD0] =	vst v3;
	v3 =	vld [tilespmem:s3+$0x80]  }
0x6f: {  	[tilespmem:s2+$0xA0] =	vst v0;
	v0 =	vld [tilespmem:s2+$0xC0]  }
0x70: {  	[tilespmem:s2+$0x50] =	vst v4;
	v4 =	vld [tilespmem:s3+$0xFFFFFF80]  }
0x71: {  	v1 =	vld.idx.msk [tilespmem:v1+s24+$0x0], $0xffff  }
0x72: {  	[tilespmem:s2+$0xFFFFFF60] =	vst v2;
	v2 =	vld.idx.msk [tilespmem:v5+s24+$0x0], $0xffff  }
0x73: {  	v5 =	vld.idx.msk [tilespmem:v6+s24+$0x0], $0xffff  }
0x74: {  	v6 =	vld [tilespmem:s3+$0x0]  }
0x75: {  	v8 =	vld [tilespmem:s2+$0xFFFFFFF0]  }
0x76: {  	v3 =	vld.idx.msk [tilespmem:v3+s24+$0x0], $0xffff  }
0x77: {  	[tilespmem:s2+$0xB0] =	vst v1;
	v1 =	vld [tilespmem:s2+$0xD0]  }
0x78: {  	v4 =	vld.idx.msk [tilespmem:v4+s24+$0x0], $0xffff  }
0x79: {  	v0 =	vld.idx.msk [tilespmem:v0+s24+$0x0], $0xffff  }
0x7a: {  	v9 =	vld.idx.msk [tilespmem:v49+s24+$0x0], $0xffff  }
0x7b: {  	[tilespmem:s3+$0x80] =	vst v3;
	v3 =	vld [tilespmem:s3+$0xA0]  }
0x7c: {  	v6 =	vld.idx.msk [tilespmem:v6+s24+$0x0], $0xffff  }
0x7d: {  	[tilespmem:s3+$0xFFFFFF80] =	vst v4;
	v4 =	vld.idx.msk [tilespmem:v13+s24+$0x0], $0xffff  }
0x7e: {  	[tilespmem:s2+$0xC0] =	vst v0;
	v0 =	vld [tilespmem:s2+$0xE0]  }
0x7f: {  	v1 =	vld.idx.msk [tilespmem:v1+s24+$0x0], $0xffff  }
0x80: {  	[tilespmem:s3+$0xFFFFFF00] =	vst v9;
	v11 =	vld.idx.msk [tilespmem:v11+s24+$0x0], $0xffff  }
0x81: {  	v9 =	vld.idx.msk [tilespmem:v10+s24+$0x0], $0xffff;
	[tilespmem:s3+$0x0] =	vst v6  }
0x82: {  	[tilespmem:s3+$0x90] =	vst v4;
	v4 =	vld [tilespmem:s3+$0xB0]  }
0x83: {  	v6 =	vld.idx.msk [tilespmem:v12+s24+$0x0], $0xffff  }
0x84: {  	[tilespmem:s2+$0xD0] =	vst v1;
	v3 =	vld.idx.msk [tilespmem:v3+s24+$0x0], $0xffff  }
0x85: {  	v1 =	vld [tilespmem:s2+$0xF0];
	[tilespmem:s3+$0xFFFFFF90] =	vst v11  }
0x86: {  	v11 =	vld.idx.msk [tilespmem:v15+s24+$0x0], $0xffff  }
0x87: {  	[tilespmem:s3+$0xFFFFFF10] =	vst v9;
	v0 =	vld.idx.msk [tilespmem:v0+s24+$0x0], $0xffff  }
0x88: {  	[tilespmem:s3+$0x10] =	vst v6;
	v6 =	vld.idx.msk [tilespmem:v14+s24+$0x0], $0xffff  }
0x89: {  	[tilespmem:s3+$0xA0] =	vst v3;
	v3 =	vld [tilespmem:s3+$0xC0]  }
0x8a: {  	v4 =	vld.idx.msk [tilespmem:v4+s24+$0x0], $0xffff  }
0x8b: {  	v10 =	vld.idx.msk [tilespmem:v50+s24+$0x0], $0xffff;
	[tilespmem:s3+$0xFFFFFFA0] =	vst v11  }
0x8c: {  	v9 =	vld.idx.msk [tilespmem:v52+s24+$0x0], $0xffff  }
0x8d: {  	[tilespmem:s3+$0xFFFFFF20] =	vst v6;
	v6 =	vld [tilespmem:s3+$0xFFFFFFC0]  }
0x8e: {  	v12 =	vld.idx.msk [tilespmem:v51+s24+$0x0], $0xffff  }
0x8f: {  	[tilespmem:s3+$0xB0] =	vst v4;
	v4 =	vld [tilespmem:s3+$0xD0]  }
0x90: {  	v7 =	vld [tilespmem:s2+$0xFFFFFFE0]  }
0x91: {  	[tilespmem:s2+$0xE0] =	vst v0;
	v3 =	vld.idx.msk [tilespmem:v3+s24+$0x0], $0xffff  }
0x92: {  	v0 =	vld.idx.msk [tilespmem:v1+s24+$0x0], $0xffff;
	[tilespmem:s3+$0x20] =	vst v10  }
0x93: {  	v10 =	vld.idx.msk [tilespmem:v53+s24+$0x0], $0xffff;
	[tilespmem:s3+$0xFFFFFF30] =	vst v12  }
0x94: {  	[tilespmem:s3+$0xFFFFFFB0] =	vst v9;
	v11 =	vld.idx.msk [tilespmem:v54+s24+$0x0], $0xffff  }
0x95: {  	v6 =	vld.idx.msk [tilespmem:v6+s24+$0x0], $0xffff  }
0x96: {  	[tilespmem:s3+$0xC0] =	vst v3;
	v3 =	vld [tilespmem:s3+$0xE0]  }
0x97: {  	v4 =	vld.idx.msk [tilespmem:v4+s24+$0x0], $0xffff  }
0x98: {  	v1 =	vld.idx.msk [tilespmem:v7+s24+$0x0], $0xffff;
	[tilespmem:s3+$0x30] =	vst v10  }
0x99: {  	v59 =	vld.idx.msk [tilespmem:v55+s24+$0x0], $0xffff;
	[tilespmem:s3+$0xFFFFFF40] =	vst v11  }
0x9a: {  	[tilespmem:s3+$0xFFFFFFC0] =	vst v6;
	v6 =	vld [tilespmem:s3+$0xFFFFFF60]  }
0x9b: {  	v12 =	vld.idx.msk [tilespmem:v56+s24+$0x0], $0xffff  }
0x9c: {  	[tilespmem:s3+$0xD0] =	vst v4;
	v4 =	vld [tilespmem:s3+$0xF0]  }
0x9d: {  	v9 =	vld.idx.msk [tilespmem:v57+s24+$0x0], $0xffff  }
0x9e: {  	v3 =	vld.idx.msk [tilespmem:v3+s24+$0x0], $0xffff  }
0x9f: {  	v7 =	vld [tilespmem:s2+$0x70];
	[tilespmem:s2+$0xF0] =	vst v0  }
0xa0: {  	v0 =	vld [tilespmem:s3+$0xFFFFFFF0];
	[tilespmem:s3+$0x40] =	vst v59  }
0xa1: {  	v10 =	vld.idx.msk [tilespmem:v58+s24+$0x0], $0xffff;
	[tilespmem:s3+$0xFFFFFF50] =	vst v12  }
0xa2: {  	[tilespmem:s3+$0xFFFFFFD0] =	vst v9;
	v6 =	vld.idx.msk [tilespmem:v6+s24+$0x0], $0xffff  }
0xa3: {  	[tilespmem:s3+$0xE0] =	vst v3;
	v3 =	vld.idx.msk [tilespmem:v60+s24+$0x0], $0xffff  }
0xa4: {  	[tilespmem:s2+$0x60] =	vst v2;
	v63 =	vld.idx.msk [tilespmem:v4+s24+$0x0], $0xffff  }
0xa5: {  	[tilespmem:s2+$0xFFFFFFE0] =	vst v1;
	v4 =	vld [tilespmem:s3+$0x70]  }
0xa6: {  	[tilespmem:s2+$0xFFFFFF70] =	vst v5;
	v2 =	vld.idx.msk [tilespmem:v8+s24+$0x0], $0xffff  }
0xa7: {  	v7 =	vld.idx.msk [tilespmem:v7+s24+$0x0], $0xffff;
	[tilespmem:s3+$0x50] =	vst v10  }
0xa8: {  	[tilespmem:s3+$0xFFFFFF60] =	vst v6;
	v6 =	vld.idx.msk [tilespmem:v61+s24+$0x0], $0xffff  }
0xa9: {  	s17 =	simm.s32 $0x4;
	s22 =	simm.s32 $0x1BCF0;
	v5 =	vld.idx.msk [tilespmem:v62+s24+$0x0], $0xffff;
	[tilespmem:s3+$0xF0] =	vst v63  }
.LBB2_2:
0xaa: {  	v8 =	vld [tilespmem:s22+$0x80];
	s17 =	sadd.s32 $0x4, s17;
	[tilespmem:s3+$0xFFFFFFE0] =	vst v3;
	v1 =	vmov v4  }
0xab: {  	v3 =	vld [tilespmem:s22+$0xFFFFFF80];
	p0 =	slt.u32 s17, $0x24  }
0xac: {  	v4 =	vld [tilespmem:s22+$0x0];
	[tilespmem:s2+$0xFFFFFFF0] =	vst v2  }
0xad: {  	v2 =	vld [tilespmem:s22+$0xFFFFFF00];
	[tilespmem:s3+$0x60] =	vst v6  }
0xae: {  	v6 =	vld [tilespmem:s22+$0xFFFFFF10];
	[tilespmem:s3+$0xFFFFFF70] =	vst v5  }
0xaf: {  	v5 =	vld [tilespmem:s22+$0xFFFFFF90];
	[tilespmem:s2+$0x70] =	vst v7;
	s2 =	smov.u32 s3;
	s3 =	smov.u32 s22  }
0xb0: {  	v7 =	vld [tilespmem:s22+$0x10]  }
0xb1: {  	v9 =	vld [tilespmem:s22+$0x90]  }
0xb2: {  	v8 =	vld.idx.msk [tilespmem:v8+s24+$0x0], $0xffff  }
0xb3: {  	v3 =	vld.idx.msk [tilespmem:v3+s24+$0x0], $0xffff  }
0xb4: {  	v4 =	vld.idx.msk [tilespmem:v4+s24+$0x0], $0xffff  }
0xb5: {  	v2 =	vld.idx.msk [tilespmem:v2+s24+$0x0], $0xffff  }
0xb6: {  	v10 =	vld [tilespmem:s22+$0xFFFFFF20]  }
0xb7: {  	v11 =	vld [tilespmem:s22+$0xFFFFFFA0]  }
0xb8: {  	[tilespmem:s22+$0x80] =	vst v8;
	v8 =	vld [tilespmem:s22+$0xA0]  }
0xb9: {  	[tilespmem:s22+$0xFFFFFF80] =	vst v3;
	v3 =	vld.idx.msk [tilespmem:v9+s24+$0x0], $0xffff  }
0xba: {  	v5 =	vld.idx.msk [tilespmem:v5+s24+$0x0], $0xffff;
	[tilespmem:s22+$0x0] =	vst v4  }
0xbb: {  	[tilespmem:s22+$0xFFFFFF00] =	vst v2;
	v2 =	vld.idx.msk [tilespmem:v7+s24+$0x0], $0xffff  }
0xbc: {  	v4 =	vld.idx.msk [tilespmem:v6+s24+$0x0], $0xffff  }
0xbd: {  	v6 =	vld [tilespmem:s22+$0x20]  }
0xbe: {  	v7 =	vld [tilespmem:s22+$0xFFFFFF30]  }
0xbf: {  	[tilespmem:s22+$0x90] =	vst v3;
	v3 =	vld [tilespmem:s22+$0xB0]  }
0xc0: {  	[tilespmem:s22+$0xFFFFFF90] =	vst v5;
	v5 =	vld.idx.msk [tilespmem:v8+s24+$0x0], $0xffff  }
0xc1: {  	v8 =	vld.idx.msk [tilespmem:v11+s24+$0x0], $0xffff;
	[tilespmem:s22+$0x10] =	vst v2  }
0xc2: {  	[tilespmem:s22+$0xFFFFFF10] =	vst v4;
	v2 =	vld [tilespmem:s22+$0xFFFFFFB0]  }
0xc3: {  	v4 =	vld.idx.msk [tilespmem:v10+s24+$0x0], $0xffff  }
0xc4: {  	v9 =	vld [tilespmem:s22+$0x30]  }
0xc5: {  	v6 =	vld.idx.msk [tilespmem:v6+s24+$0x0], $0xffff  }
0xc6: {  	[tilespmem:s22+$0xA0] =	vst v5;
	v5 =	vld [tilespmem:s22+$0xC0]  }
0xc7: {  	[tilespmem:s22+$0xFFFFFFA0] =	vst v8;
	v3 =	vld.idx.msk [tilespmem:v3+s24+$0x0], $0xffff  }
0xc8: {  	v8 =	vld [tilespmem:s22+$0xFFFFFF40]  }
0xc9: {  	[tilespmem:s22+$0xFFFFFF20] =	vst v4;
	v4 =	vld [tilespmem:s22+$0xFFFFFFC0]  }
0xca: {  	v7 =	vld.idx.msk [tilespmem:v7+s24+$0x0], $0xffff  }
0xcb: {  	v2 =	vld.idx.msk [tilespmem:v2+s24+$0x0], $0xffff;
	[tilespmem:s22+$0x20] =	vst v6  }
0xcc: {  	v6 =	vld.idx.msk [tilespmem:v9+s24+$0x0], $0xffff  }
0xcd: {  	[tilespmem:s22+$0xB0] =	vst v3;
	v3 =	vld [tilespmem:s22+$0xD0]  }
0xce: {  	v5 =	vld.idx.msk [tilespmem:v5+s24+$0x0], $0xffff  }
0xcf: {  	v9 =	vld [tilespmem:s22+$0x40]  }
0xd0: {  	[tilespmem:s22+$0xFFFFFF30] =	vst v7;
	v7 =	vld [tilespmem:s22+$0xFFFFFF50]  }
0xd1: {  	v8 =	vld.idx.msk [tilespmem:v8+s24+$0x0], $0xffff;
	[tilespmem:s22+$0xFFFFFFB0] =	vst v2  }
0xd2: {  	v2 =	vld.idx.msk [tilespmem:v4+s24+$0x0], $0xffff;
	[tilespmem:s22+$0x30] =	vst v6  }
0xd3: {  	v4 =	vld [tilespmem:s22+$0xFFFFFFD0]  }
0xd4: {  	[tilespmem:s22+$0xC0] =	vst v5;
	v5 =	vld [tilespmem:s22+$0xE0]  }
0xd5: {  	v3 =	vld.idx.msk [tilespmem:v3+s24+$0x0], $0xffff  }
0xd6: {  	v6 =	vld [tilespmem:s22+$0x50]  }
0xd7: {  	[tilespmem:s22+$0xFFFFFF40] =	vst v8;
	v8 =	vld.idx.msk [tilespmem:v9+s24+$0x0], $0xffff  }
0xd8: {  	v7 =	vld.idx.msk [tilespmem:v7+s24+$0x0], $0xffff;
	[tilespmem:s22+$0xFFFFFFC0] =	vst v2  }
0xd9: {  	v2 =	vld [tilespmem:s22+$0xFFFFFF60]  }
0xda: {  	v9 =	vld [tilespmem:s22+$0xFFFFFFE0]  }
0xdb: {  	[tilespmem:s22+$0xD0] =	vst v3;
	v3 =	vld [tilespmem:s22+$0xF0]  }
0xdc: {  	v5 =	vld.idx.msk [tilespmem:v5+s24+$0x0], $0xffff  }
0xdd: {  	v4 =	vld.idx.msk [tilespmem:v4+s24+$0x0], $0xffff;
	[tilespmem:s22+$0x40] =	vst v8  }
0xde: {  	[tilespmem:s22+$0xFFFFFF50] =	vst v7;
	v6 =	vld.idx.msk [tilespmem:v6+s24+$0x0], $0xffff  }
0xdf: {  	v7 =	vld [tilespmem:s22+$0x60]  }
0xe0: {  	v8 =	vld [tilespmem:s22+$0xFFFFFF70]  }
0xe1: {  	v10 =	vld.idx.msk [tilespmem:v2+s24+$0x0], $0xffff  }
0xe2: {  	v11 =	vld [tilespmem:s22+$0xFFFFFFF0];
	[tilespmem:s22+$0xE0] =	vst v5  }
0xe3: {  	[tilespmem:s22+$0xFFFFFFD0] =	vst v4;
	v12 =	vld.idx.msk [tilespmem:v3+s24+$0x0], $0xffff  }
0xe4: {  	v3 =	vld.idx.msk [tilespmem:v9+s24+$0x0], $0xffff;
	[tilespmem:s22+$0x50] =	vst v6  }
.Ltmp0:
0xe5: {  	v4 =	vld [tilespmem:s22+$0x70];
	(pc) =	sbr.rel @p0 .LBB2_2-.Ltmp0, $4  }
0xe6: {  	v2 =	vld.idx.msk [tilespmem:v0+s24+$0x0], $0xffff  }
0xe7: {  	[tilespmem:s22+$0xFFFFFF60] =	vst v10;
	v6 =	vld.idx.msk [tilespmem:v7+s24+$0x0], $0xffff;
	v0 =	vmov v11  }
0xe8: {  	v5 =	vld.idx.msk [tilespmem:v8+s24+$0x0], $0xffff  }
0xe9: {  	s22 =	sadd.s32 $0x200, s22;
	[tilespmem:s3+$0xF0] =	vst v12;
	v7 =	vld.idx.msk [tilespmem:v1+s24+$0x0], $0xffff  }
0xea: {  	_ =	sdelay $0x2  }
0xeb: {  	[tilespmem:s3+$0xFFFFFFE0] =	vst v3  }
0xec: {  	v0 =	vld.idx.msk [tilespmem:v0+s24+$0x0], $0xffff;
	[tilespmem:s3+$0x60] =	vst v6  }
0xed: {  	v1 =	vld.idx.msk [tilespmem:v4+s24+$0x0], $0xffff  }
0xee: {  	[tilespmem:s2+$0xFFFFFFF0] =	vst v2  }
0xef: {  	[tilespmem:s3+$0xFFFFFF70] =	vst v5  }
0xf0: {  	[tilespmem:s2+$0x70] =	vst v7  }
0xf1: {  	[tilespmem:s3+$0xFFFFFFF0] =	vst v0  }
0xf2: {  	[tilespmem:s3+$0x70] =	vst v1  }
0xf3: {  	[hbm4b:s9+s18] =	stream.strided.scatter [tilespmem:s20], [sflag:$0x5], $0x1400, s19, s18, $0x38;
	[tilespmem:$0x1F3F0] =	vst v63  }
0xf4: {  	_ =	swait.ge [sflag:s28], $0x1400  }
0xf5: {  	[sflag:s28] =	ssyncset.done $0x0  }
0xf6: {  	[sflag:s28] =	ssyncadd.s32 $0xFFFFEC00  }
0xf7: {  	[tilespmem:s20], [sflag:$0x2] =	stream.strided.gather [hbm4b:s10+s18], $0x1400, s19, s18, $0x38;
	[tilespmem:$0x1F3F0] =	vst v63  }
0xf8: {  	_ =	swait.ge [sflag:s29], $0x1400  }
0xf9: {  	[sflag:s29] =	ssyncset.done $0x0  }
0xfa: {  	s2 =	simm.s32 $0x1CCF0;
	[sflag:s29] =	ssyncadd.s32 $0xFFFFEC00  }
0xfb: {  	v0 =	vld [tilespmem:s2+$0x80]  }
0xfc: {  	v1 =	vld [tilespmem:s2+$0xFFFFFF80]  }
0xfd: {  	v2 =	vld [tilespmem:s2+$0x0]  }
0xfe: {  	v3 =	vld [tilespmem:s2+$0xFFFFFF00]  }
0xff: {  	v4 =	vld [tilespmem:s2+$0xFFFFFF10]  }
0x100: {  	v5 =	vld [tilespmem:s2+$0xFFFFFF90]  }
0x101: {  	v6 =	vld [tilespmem:s2+$0x10]  }
0x102: {  	v7 =	vld [tilespmem:s2+$0x90]  }
0x103: {  	v8 =	vld [tilespmem:s2+$0xFFFFFF20]  }
0x104: {  	s3 =	simm.s32 $0x1CEF0;
	v9 =	vld [tilespmem:s2+$0xFFFFFFA0]  }
0x105: {  	v49 =	vld [tilespmem:s3+$0xFFFFFF00]  }
0x106: {  	v10 =	vld [tilespmem:s3+$0xFFFFFF10]  }
0x107: {  	v11 =	vld [tilespmem:s3+$0xFFFFFF90]  }
0x108: {  	v12 =	vld [tilespmem:s3+$0x10]  }
0x109: {  	v13 =	vld [tilespmem:s3+$0x90]  }
0x10a: {  	v14 =	vld [tilespmem:s3+$0xFFFFFF20]  }
0x10b: {  	v15 =	vld [tilespmem:s3+$0xFFFFFFA0]  }
0x10c: {  	v50 =	vld [tilespmem:s3+$0x20]  }
0x10d: {  	v51 =	vld [tilespmem:s3+$0xFFFFFF30]  }
0x10e: {  	v52 =	vld [tilespmem:s3+$0xFFFFFFB0]  }
0x10f: {  	v53 =	vld [tilespmem:s3+$0x30]  }
0x110: {  	v54 =	vld [tilespmem:s3+$0xFFFFFF40]  }
0x111: {  	v55 =	vld [tilespmem:s3+$0x40]  }
0x112: {  	v56 =	vld [tilespmem:s3+$0xFFFFFF50]  }
0x113: {  	v1 =	vld.idx.msk [tilespmem:v1+s24+$0x0], $0xffff  }
0x114: {  	v3 =	vld.idx.msk [tilespmem:v3+s24+$0x0], $0xffff  }
0x115: {  	v2 =	vld.idx.msk [tilespmem:v2+s24+$0x0], $0xffff  }
0x116: {  	v57 =	vld [tilespmem:s3+$0xFFFFFFD0]  }
0x117: {  	v0 =	vld.idx.msk [tilespmem:v0+s24+$0x0], $0xffff  }
0x118: {  	v58 =	vld [tilespmem:s3+$0x50];
	[tilespmem:s2+$0xFFFFFF80] =	vst v1  }
0x119: {  	[tilespmem:s2+$0xFFFFFF00] =	vst v3;
	v5 =	vld.idx.msk [tilespmem:v5+s24+$0x0], $0xffff  }
0x11a: {  	[tilespmem:s2+$0x0] =	vst v2;
	v3 =	vld.idx.msk [tilespmem:v4+s24+$0x0], $0xffff  }
0x11b: {  	v2 =	vld.idx.msk [tilespmem:v6+s24+$0x0], $0xffff  }
0x11c: {  	[tilespmem:s2+$0x80] =	vst v0;
	v4 =	vld [tilespmem:s2+$0x20]  }
0x11d: {  	v1 =	vld.idx.msk [tilespmem:v7+s24+$0x0], $0xffff  }
0x11e: {  	v6 =	vld [tilespmem:s2+$0xFFFFFF30];
	[tilespmem:s2+$0xFFFFFF90] =	vst v5  }
0x11f: {  	[tilespmem:s2+$0xFFFFFF10] =	vst v3;
	v3 =	vld [tilespmem:s2+$0xFFFFFFB0]  }
0x120: {  	v5 =	vld.idx.msk [tilespmem:v9+s24+$0x0], $0xffff  }
0x121: {  	[tilespmem:s2+$0x10] =	vst v2;
	v2 =	vld.idx.msk [tilespmem:v8+s24+$0x0], $0xffff  }
0x122: {  	v7 =	vld [tilespmem:s2+$0x30]  }
0x123: {  	v60 =	vld [tilespmem:s3+$0xFFFFFFE0]  }
0x124: {  	v4 =	vld.idx.msk [tilespmem:v4+s24+$0x0], $0xffff  }
0x125: {  	[tilespmem:s2+$0xFFFFFFA0] =	vst v5;
	v5 =	vld [tilespmem:s2+$0xFFFFFF40]  }
0x126: {  	[tilespmem:s2+$0xFFFFFF20] =	vst v2;
	v2 =	vld [tilespmem:s2+$0xFFFFFFC0]  }
0x127: {  	v6 =	vld.idx.msk [tilespmem:v6+s24+$0x0], $0xffff  }
0x128: {  	v3 =	vld.idx.msk [tilespmem:v3+s24+$0x0], $0xffff  }
0x129: {  	v0 =	vld [tilespmem:s2+$0xA0];
	[tilespmem:s2+$0x20] =	vst v4  }
0x12a: {  	v4 =	vld.idx.msk [tilespmem:v7+s24+$0x0], $0xffff  }
0x12b: {  	v7 =	vld [tilespmem:s2+$0x40]  }
0x12c: {  	[tilespmem:s2+$0xFFFFFF30] =	vst v6;
	v6 =	vld [tilespmem:s2+$0xFFFFFF50]  }
0x12d: {  	[tilespmem:s2+$0xFFFFFFB0] =	vst v3;
	v3 =	vld [tilespmem:s2+$0xFFFFFFD0]  }
0x12e: {  	v5 =	vld.idx.msk [tilespmem:v5+s24+$0x0], $0xffff  }
0x12f: {  	v2 =	vld.idx.msk [tilespmem:v2+s24+$0x0], $0xffff  }
0x130: {  	v61 =	vld [tilespmem:s3+$0x60]  }
0x131: {  	[tilespmem:s2+$0x30] =	vst v4;
	v4 =	vld [tilespmem:s2+$0x50]  }
0x132: {  	[tilespmem:s2+$0x90] =	vst v1;
	v1 =	vld [tilespmem:s2+$0xB0]  }
0x133: {  	[tilespmem:s2+$0xFFFFFF40] =	vst v5;
	v5 =	vld.idx.msk [tilespmem:v7+s24+$0x0], $0xffff  }
0x134: {  	[tilespmem:s2+$0xFFFFFFC0] =	vst v2;
	v2 =	vld [tilespmem:s2+$0xFFFFFF60]  }
0x135: {  	v6 =	vld.idx.msk [tilespmem:v6+s24+$0x0], $0xffff  }
0x136: {  	v0 =	vld.idx.msk [tilespmem:v0+s24+$0x0], $0xffff  }
0x137: {  	v3 =	vld.idx.msk [tilespmem:v3+s24+$0x0], $0xffff  }
0x138: {  	[tilespmem:s2+$0x40] =	vst v5;
	v5 =	vld [tilespmem:s2+$0x60]  }
0x139: {  	v4 =	vld.idx.msk [tilespmem:v4+s24+$0x0], $0xffff  }
0x13a: {  	[tilespmem:s2+$0xFFFFFF50] =	vst v6;
	v6 =	vld [tilespmem:s2+$0xFFFFFF70]  }
0x13b: {  	v62 =	vld [tilespmem:s3+$0xFFFFFF70]  }
0x13c: {  	v2 =	vld.idx.msk [tilespmem:v2+s24+$0x0], $0xffff  }
0x13d: {  	[tilespmem:s2+$0xFFFFFFD0] =	vst v3;
	v3 =	vld [tilespmem:s3+$0x80]  }
0x13e: {  	[tilespmem:s2+$0xA0] =	vst v0;
	v0 =	vld [tilespmem:s2+$0xC0]  }
0x13f: {  	[tilespmem:s2+$0x50] =	vst v4;
	v4 =	vld [tilespmem:s3+$0xFFFFFF80]  }
0x140: {  	v1 =	vld.idx.msk [tilespmem:v1+s24+$0x0], $0xffff  }
0x141: {  	[tilespmem:s2+$0xFFFFFF60] =	vst v2;
	v2 =	vld.idx.msk [tilespmem:v5+s24+$0x0], $0xffff  }
0x142: {  	v5 =	vld.idx.msk [tilespmem:v6+s24+$0x0], $0xffff  }
0x143: {  	v6 =	vld [tilespmem:s3+$0x0]  }
0x144: {  	v8 =	vld [tilespmem:s2+$0xFFFFFFF0]  }
0x145: {  	v3 =	vld.idx.msk [tilespmem:v3+s24+$0x0], $0xffff  }
0x146: {  	[tilespmem:s2+$0xB0] =	vst v1;
	v1 =	vld [tilespmem:s2+$0xD0]  }
0x147: {  	v4 =	vld.idx.msk [tilespmem:v4+s24+$0x0], $0xffff  }
0x148: {  	v0 =	vld.idx.msk [tilespmem:v0+s24+$0x0], $0xffff  }
0x149: {  	v9 =	vld.idx.msk [tilespmem:v49+s24+$0x0], $0xffff  }
0x14a: {  	[tilespmem:s3+$0x80] =	vst v3;
	v3 =	vld [tilespmem:s3+$0xA0]  }
0x14b: {  	v6 =	vld.idx.msk [tilespmem:v6+s24+$0x0], $0xffff  }
0x14c: {  	[tilespmem:s3+$0xFFFFFF80] =	vst v4;
	v4 =	vld.idx.msk [tilespmem:v13+s24+$0x0], $0xffff  }
0x14d: {  	[tilespmem:s2+$0xC0] =	vst v0;
	v0 =	vld [tilespmem:s2+$0xE0]  }
0x14e: {  	v1 =	vld.idx.msk [tilespmem:v1+s24+$0x0], $0xffff  }
0x14f: {  	[tilespmem:s3+$0xFFFFFF00] =	vst v9;
	v11 =	vld.idx.msk [tilespmem:v11+s24+$0x0], $0xffff  }
0x150: {  	v9 =	vld.idx.msk [tilespmem:v10+s24+$0x0], $0xffff;
	[tilespmem:s3+$0x0] =	vst v6  }
0x151: {  	[tilespmem:s3+$0x90] =	vst v4;
	v4 =	vld [tilespmem:s3+$0xB0]  }
0x152: {  	v6 =	vld.idx.msk [tilespmem:v12+s24+$0x0], $0xffff  }
0x153: {  	[tilespmem:s2+$0xD0] =	vst v1;
	v3 =	vld.idx.msk [tilespmem:v3+s24+$0x0], $0xffff  }
0x154: {  	v1 =	vld [tilespmem:s2+$0xF0];
	[tilespmem:s3+$0xFFFFFF90] =	vst v11  }
0x155: {  	v11 =	vld.idx.msk [tilespmem:v15+s24+$0x0], $0xffff  }
0x156: {  	[tilespmem:s3+$0xFFFFFF10] =	vst v9;
	v0 =	vld.idx.msk [tilespmem:v0+s24+$0x0], $0xffff  }
0x157: {  	[tilespmem:s3+$0x10] =	vst v6;
	v6 =	vld.idx.msk [tilespmem:v14+s24+$0x0], $0xffff  }
0x158: {  	[tilespmem:s3+$0xA0] =	vst v3;
	v3 =	vld [tilespmem:s3+$0xC0]  }
0x159: {  	v4 =	vld.idx.msk [tilespmem:v4+s24+$0x0], $0xffff  }
0x15a: {  	v10 =	vld.idx.msk [tilespmem:v50+s24+$0x0], $0xffff;
	[tilespmem:s3+$0xFFFFFFA0] =	vst v11  }
0x15b: {  	v9 =	vld.idx.msk [tilespmem:v52+s24+$0x0], $0xffff  }
0x15c: {  	[tilespmem:s3+$0xFFFFFF20] =	vst v6;
	v6 =	vld [tilespmem:s3+$0xFFFFFFC0]  }
0x15d: {  	v12 =	vld.idx.msk [tilespmem:v51+s24+$0x0], $0xffff  }
0x15e: {  	[tilespmem:s3+$0xB0] =	vst v4;
	v4 =	vld [tilespmem:s3+$0xD0]  }
0x15f: {  	v7 =	vld [tilespmem:s2+$0xFFFFFFE0]  }
0x160: {  	[tilespmem:s2+$0xE0] =	vst v0;
	v3 =	vld.idx.msk [tilespmem:v3+s24+$0x0], $0xffff  }
0x161: {  	v0 =	vld.idx.msk [tilespmem:v1+s24+$0x0], $0xffff;
	[tilespmem:s3+$0x20] =	vst v10  }
0x162: {  	v10 =	vld.idx.msk [tilespmem:v53+s24+$0x0], $0xffff;
	[tilespmem:s3+$0xFFFFFF30] =	vst v12  }
0x163: {  	[tilespmem:s3+$0xFFFFFFB0] =	vst v9;
	v11 =	vld.idx.msk [tilespmem:v54+s24+$0x0], $0xffff  }
0x164: {  	v6 =	vld.idx.msk [tilespmem:v6+s24+$0x0], $0xffff  }
0x165: {  	[tilespmem:s3+$0xC0] =	vst v3;
	v3 =	vld [tilespmem:s3+$0xE0]  }
0x166: {  	v4 =	vld.idx.msk [tilespmem:v4+s24+$0x0], $0xffff  }
0x167: {  	v1 =	vld.idx.msk [tilespmem:v7+s24+$0x0], $0xffff;
	[tilespmem:s3+$0x30] =	vst v10  }
0x168: {  	v59 =	vld.idx.msk [tilespmem:v55+s24+$0x0], $0xffff;
	[tilespmem:s3+$0xFFFFFF40] =	vst v11  }
0x169: {  	[tilespmem:s3+$0xFFFFFFC0] =	vst v6;
	v6 =	vld [tilespmem:s3+$0xFFFFFF60]  }
0x16a: {  	v12 =	vld.idx.msk [tilespmem:v56+s24+$0x0], $0xffff  }
0x16b: {  	[tilespmem:s3+$0xD0] =	vst v4;
	v4 =	vld [tilespmem:s3+$0xF0]  }
0x16c: {  	v9 =	vld.idx.msk [tilespmem:v57+s24+$0x0], $0xffff  }
0x16d: {  	v3 =	vld.idx.msk [tilespmem:v3+s24+$0x0], $0xffff  }
0x16e: {  	v7 =	vld [tilespmem:s2+$0x70];
	[tilespmem:s2+$0xF0] =	vst v0  }
0x16f: {  	v0 =	vld [tilespmem:s3+$0xFFFFFFF0];
	[tilespmem:s3+$0x40] =	vst v59  }
0x170: {  	v10 =	vld.idx.msk [tilespmem:v58+s24+$0x0], $0xffff;
	[tilespmem:s3+$0xFFFFFF50] =	vst v12  }
0x171: {  	[tilespmem:s3+$0xFFFFFFD0] =	vst v9;
	v6 =	vld.idx.msk [tilespmem:v6+s24+$0x0], $0xffff  }
0x172: {  	[tilespmem:s3+$0xE0] =	vst v3;
	v3 =	vld.idx.msk [tilespmem:v60+s24+$0x0], $0xffff  }
0x173: {  	[tilespmem:s2+$0x60] =	vst v2;
	v63 =	vld.idx.msk [tilespmem:v4+s24+$0x0], $0xffff  }
0x174: {  	[tilespmem:s2+$0xFFFFFFE0] =	vst v1;
	v4 =	vld [tilespmem:s3+$0x70]  }
0x175: {  	[tilespmem:s2+$0xFFFFFF70] =	vst v5;
	v2 =	vld.idx.msk [tilespmem:v8+s24+$0x0], $0xffff  }
0x176: {  	v7 =	vld.idx.msk [tilespmem:v7+s24+$0x0], $0xffff;
	[tilespmem:s3+$0x50] =	vst v10  }
0x177: {  	[tilespmem:s3+$0xFFFFFF60] =	vst v6;
	v6 =	vld.idx.msk [tilespmem:v61+s24+$0x0], $0xffff  }
0x178: {  	s17 =	simm.s32 $0x4;
	s22 =	simm.s32 $0x1D0F0;
	v5 =	vld.idx.msk [tilespmem:v62+s24+$0x0], $0xffff;
	[tilespmem:s3+$0xF0] =	vst v63  }
.LBB2_4:
0x179: {  	v8 =	vld [tilespmem:s22+$0x80];
	s17 =	sadd.s32 $0x4, s17;
	[tilespmem:s3+$0xFFFFFFE0] =	vst v3;
	v1 =	vmov v4  }
0x17a: {  	v3 =	vld [tilespmem:s22+$0xFFFFFF80];
	p0 =	slt.u32 s17, $0x24  }
0x17b: {  	v4 =	vld [tilespmem:s22+$0x0];
	[tilespmem:s2+$0xFFFFFFF0] =	vst v2  }
0x17c: {  	v2 =	vld [tilespmem:s22+$0xFFFFFF00];
	[tilespmem:s3+$0x60] =	vst v6  }
0x17d: {  	v6 =	vld [tilespmem:s22+$0xFFFFFF10];
	[tilespmem:s3+$0xFFFFFF70] =	vst v5  }
0x17e: {  	v5 =	vld [tilespmem:s22+$0xFFFFFF90];
	[tilespmem:s2+$0x70] =	vst v7;
	s2 =	smov.u32 s3;
	s3 =	smov.u32 s22  }
0x17f: {  	v7 =	vld [tilespmem:s22+$0x10]  }
0x180: {  	v9 =	vld [tilespmem:s22+$0x90]  }
0x181: {  	v8 =	vld.idx.msk [tilespmem:v8+s24+$0x0], $0xffff  }
0x182: {  	v3 =	vld.idx.msk [tilespmem:v3+s24+$0x0], $0xffff  }
0x183: {  	v4 =	vld.idx.msk [tilespmem:v4+s24+$0x0], $0xffff  }
0x184: {  	v2 =	vld.idx.msk [tilespmem:v2+s24+$0x0], $0xffff  }
0x185: {  	v10 =	vld [tilespmem:s22+$0xFFFFFF20]  }
0x186: {  	v11 =	vld [tilespmem:s22+$0xFFFFFFA0]  }
0x187: {  	[tilespmem:s22+$0x80] =	vst v8;
	v8 =	vld [tilespmem:s22+$0xA0]  }
0x188: {  	[tilespmem:s22+$0xFFFFFF80] =	vst v3;
	v3 =	vld.idx.msk [tilespmem:v9+s24+$0x0], $0xffff  }
0x189: {  	v5 =	vld.idx.msk [tilespmem:v5+s24+$0x0], $0xffff;
	[tilespmem:s22+$0x0] =	vst v4  }
0x18a: {  	[tilespmem:s22+$0xFFFFFF00] =	vst v2;
	v2 =	vld.idx.msk [tilespmem:v7+s24+$0x0], $0xffff  }
0x18b: {  	v4 =	vld.idx.msk [tilespmem:v6+s24+$0x0], $0xffff  }
0x18c: {  	v6 =	vld [tilespmem:s22+$0x20]  }
0x18d: {  	v7 =	vld [tilespmem:s22+$0xFFFFFF30]  }
0x18e: {  	[tilespmem:s22+$0x90] =	vst v3;
	v3 =	vld [tilespmem:s22+$0xB0]  }
0x18f: {  	[tilespmem:s22+$0xFFFFFF90] =	vst v5;
	v5 =	vld.idx.msk [tilespmem:v8+s24+$0x0], $0xffff  }
0x190: {  	v8 =	vld.idx.msk [tilespmem:v11+s24+$0x0], $0xffff;
	[tilespmem:s22+$0x10] =	vst v2  }
0x191: {  	[tilespmem:s22+$0xFFFFFF10] =	vst v4;
	v2 =	vld [tilespmem:s22+$0xFFFFFFB0]  }
0x192: {  	v4 =	vld.idx.msk [tilespmem:v10+s24+$0x0], $0xffff  }
0x193: {  	v9 =	vld [tilespmem:s22+$0x30]  }
0x194: {  	v6 =	vld.idx.msk [tilespmem:v6+s24+$0x0], $0xffff  }
0x195: {  	[tilespmem:s22+$0xA0] =	vst v5;
	v5 =	vld [tilespmem:s22+$0xC0]  }
0x196: {  	[tilespmem:s22+$0xFFFFFFA0] =	vst v8;
	v3 =	vld.idx.msk [tilespmem:v3+s24+$0x0], $0xffff  }
0x197: {  	v8 =	vld [tilespmem:s22+$0xFFFFFF40]  }
0x198: {  	[tilespmem:s22+$0xFFFFFF20] =	vst v4;
	v4 =	vld [tilespmem:s22+$0xFFFFFFC0]  }
0x199: {  	v7 =	vld.idx.msk [tilespmem:v7+s24+$0x0], $0xffff  }
0x19a: {  	v2 =	vld.idx.msk [tilespmem:v2+s24+$0x0], $0xffff;
	[tilespmem:s22+$0x20] =	vst v6  }
0x19b: {  	v6 =	vld.idx.msk [tilespmem:v9+s24+$0x0], $0xffff  }
0x19c: {  	[tilespmem:s22+$0xB0] =	vst v3;
	v3 =	vld [tilespmem:s22+$0xD0]  }
0x19d: {  	v5 =	vld.idx.msk [tilespmem:v5+s24+$0x0], $0xffff  }
0x19e: {  	v9 =	vld [tilespmem:s22+$0x40]  }
0x19f: {  	[tilespmem:s22+$0xFFFFFF30] =	vst v7;
	v7 =	vld [tilespmem:s22+$0xFFFFFF50]  }
0x1a0: {  	v8 =	vld.idx.msk [tilespmem:v8+s24+$0x0], $0xffff;
	[tilespmem:s22+$0xFFFFFFB0] =	vst v2  }
0x1a1: {  	v2 =	vld.idx.msk [tilespmem:v4+s24+$0x0], $0xffff;
	[tilespmem:s22+$0x30] =	vst v6  }
0x1a2: {  	v4 =	vld [tilespmem:s22+$0xFFFFFFD0]  }
0x1a3: {  	[tilespmem:s22+$0xC0] =	vst v5;
	v5 =	vld [tilespmem:s22+$0xE0]  }
0x1a4: {  	v3 =	vld.idx.msk [tilespmem:v3+s24+$0x0], $0xffff  }
0x1a5: {  	v6 =	vld [tilespmem:s22+$0x50]  }
0x1a6: {  	[tilespmem:s22+$0xFFFFFF40] =	vst v8;
	v8 =	vld.idx.msk [tilespmem:v9+s24+$0x0], $0xffff  }
0x1a7: {  	v7 =	vld.idx.msk [tilespmem:v7+s24+$0x0], $0xffff;
	[tilespmem:s22+$0xFFFFFFC0] =	vst v2  }
0x1a8: {  	v2 =	vld [tilespmem:s22+$0xFFFFFF60]  }
0x1a9: {  	v9 =	vld [tilespmem:s22+$0xFFFFFFE0]  }
0x1aa: {  	[tilespmem:s22+$0xD0] =	vst v3;
	v3 =	vld [tilespmem:s22+$0xF0]  }
0x1ab: {  	v5 =	vld.idx.msk [tilespmem:v5+s24+$0x0], $0xffff  }
0x1ac: {  	v4 =	vld.idx.msk [tilespmem:v4+s24+$0x0], $0xffff;
	[tilespmem:s22+$0x40] =	vst v8  }
0x1ad: {  	[tilespmem:s22+$0xFFFFFF50] =	vst v7;
	v6 =	vld.idx.msk [tilespmem:v6+s24+$0x0], $0xffff  }
0x1ae: {  	v7 =	vld [tilespmem:s22+$0x60]  }
0x1af: {  	v8 =	vld [tilespmem:s22+$0xFFFFFF70]  }
0x1b0: {  	v10 =	vld.idx.msk [tilespmem:v2+s24+$0x0], $0xffff  }
0x1b1: {  	v11 =	vld [tilespmem:s22+$0xFFFFFFF0];
	[tilespmem:s22+$0xE0] =	vst v5  }
0x1b2: {  	[tilespmem:s22+$0xFFFFFFD0] =	vst v4;
	v12 =	vld.idx.msk [tilespmem:v3+s24+$0x0], $0xffff  }
0x1b3: {  	v3 =	vld.idx.msk [tilespmem:v9+s24+$0x0], $0xffff;
	[tilespmem:s22+$0x50] =	vst v6  }
.Ltmp1:
0x1b4: {  	v4 =	vld [tilespmem:s22+$0x70];
	(pc) =	sbr.rel @p0 .LBB2_4-.Ltmp1, $4  }
0x1b5: {  	v2 =	vld.idx.msk [tilespmem:v0+s24+$0x0], $0xffff  }
0x1b6: {  	[tilespmem:s22+$0xFFFFFF60] =	vst v10;
	v6 =	vld.idx.msk [tilespmem:v7+s24+$0x0], $0xffff;
	v0 =	vmov v11  }
0x1b7: {  	v5 =	vld.idx.msk [tilespmem:v8+s24+$0x0], $0xffff  }
0x1b8: {  	s22 =	sadd.s32 $0x200, s22;
	[tilespmem:s3+$0xF0] =	vst v12;
	v7 =	vld.idx.msk [tilespmem:v1+s24+$0x0], $0xffff  }
0x1b9: {  	_ =	sdelay $0x2  }
0x1ba: {  	[tilespmem:s3+$0xFFFFFFE0] =	vst v3  }
0x1bb: {  	v0 =	vld.idx.msk [tilespmem:v0+s24+$0x0], $0xffff;
	[tilespmem:s3+$0x60] =	vst v6  }
0x1bc: {  	v1 =	vld.idx.msk [tilespmem:v4+s24+$0x0], $0xffff  }
0x1bd: {  	[tilespmem:s2+$0xFFFFFFF0] =	vst v2  }
0x1be: {  	[tilespmem:s3+$0xFFFFFF70] =	vst v5  }
0x1bf: {  	[tilespmem:s2+$0x70] =	vst v7  }
0x1c0: {  	[tilespmem:s3+$0xFFFFFFF0] =	vst v0  }
0x1c1: {  	[tilespmem:s3+$0x70] =	vst v1  }
0x1c2: {  	[hbm4b:s11+s18] =	stream.strided.scatter [tilespmem:s21], [sflag:$0x6], $0x1400, s19, s18, $0x38;
	[tilespmem:$0x1F3F0] =	vst v63  }
0x1c3: {  	_ =	swait.ge [sflag:s30], $0x1400  }
0x1c4: {  	[sflag:s30] =	ssyncset.done $0x0  }
0x1c5: {  	[sflag:s30] =	ssyncadd.s32 $0xFFFFEC00  }
0x1c6: {  	[tilespmem:s21], [sflag:$0x3] =	stream.strided.gather [hbm4b:s12+s18], $0x1400, s19, s18, $0x38;
	[tilespmem:$0x1F3F0] =	vst v63  }
0x1c7: {  	_ =	swait.ge [sflag:s31], $0x1400  }
0x1c8: {  	[sflag:s31] =	ssyncset.done $0x0  }
0x1c9: {  	s2 =	simm.s32 $0x1E0F0;
	[sflag:s31] =	ssyncadd.s32 $0xFFFFEC00  }
0x1ca: {  	v0 =	vld [tilespmem:s2+$0x80]  }
0x1cb: {  	v1 =	vld [tilespmem:s2+$0xFFFFFF80]  }
0x1cc: {  	v2 =	vld [tilespmem:s2+$0x0]  }
0x1cd: {  	v3 =	vld [tilespmem:s2+$0xFFFFFF00]  }
0x1ce: {  	v4 =	vld [tilespmem:s2+$0xFFFFFF10]  }
0x1cf: {  	v5 =	vld [tilespmem:s2+$0xFFFFFF90]  }
0x1d0: {  	v6 =	vld [tilespmem:s2+$0x10]  }
0x1d1: {  	v7 =	vld [tilespmem:s2+$0x90]  }
0x1d2: {  	v8 =	vld [tilespmem:s2+$0xFFFFFF20]  }
0x1d3: {  	s3 =	simm.s32 $0x1E2F0;
	v9 =	vld [tilespmem:s2+$0xFFFFFFA0]  }
0x1d4: {  	v49 =	vld [tilespmem:s3+$0xFFFFFF00]  }
0x1d5: {  	v10 =	vld [tilespmem:s3+$0xFFFFFF10]  }
0x1d6: {  	v11 =	vld [tilespmem:s3+$0xFFFFFF90]  }
0x1d7: {  	v12 =	vld [tilespmem:s3+$0x10]  }
0x1d8: {  	v13 =	vld [tilespmem:s3+$0x90]  }
0x1d9: {  	v14 =	vld [tilespmem:s3+$0xFFFFFF20]  }
0x1da: {  	v15 =	vld [tilespmem:s3+$0xFFFFFFA0]  }
0x1db: {  	v50 =	vld [tilespmem:s3+$0x20]  }
0x1dc: {  	v51 =	vld [tilespmem:s3+$0xFFFFFF30]  }
0x1dd: {  	v52 =	vld [tilespmem:s3+$0xFFFFFFB0]  }
0x1de: {  	v53 =	vld [tilespmem:s3+$0x30]  }
0x1df: {  	v54 =	vld [tilespmem:s3+$0xFFFFFF40]  }
0x1e0: {  	v55 =	vld [tilespmem:s3+$0x40]  }
0x1e1: {  	v56 =	vld [tilespmem:s3+$0xFFFFFF50]  }
0x1e2: {  	v1 =	vld.idx.msk [tilespmem:v1+s24+$0x0], $0xffff  }
0x1e3: {  	v3 =	vld.idx.msk [tilespmem:v3+s24+$0x0], $0xffff  }
0x1e4: {  	v2 =	vld.idx.msk [tilespmem:v2+s24+$0x0], $0xffff  }
0x1e5: {  	v57 =	vld [tilespmem:s3+$0xFFFFFFD0]  }
0x1e6: {  	v0 =	vld.idx.msk [tilespmem:v0+s24+$0x0], $0xffff  }
0x1e7: {  	v58 =	vld [tilespmem:s3+$0x50];
	[tilespmem:s2+$0xFFFFFF80] =	vst v1  }
0x1e8: {  	[tilespmem:s2+$0xFFFFFF00] =	vst v3;
	v5 =	vld.idx.msk [tilespmem:v5+s24+$0x0], $0xffff  }
0x1e9: {  	[tilespmem:s2+$0x0] =	vst v2;
	v3 =	vld.idx.msk [tilespmem:v4+s24+$0x0], $0xffff  }
0x1ea: {  	v2 =	vld.idx.msk [tilespmem:v6+s24+$0x0], $0xffff  }
0x1eb: {  	[tilespmem:s2+$0x80] =	vst v0;
	v4 =	vld [tilespmem:s2+$0x20]  }
0x1ec: {  	v1 =	vld.idx.msk [tilespmem:v7+s24+$0x0], $0xffff  }
0x1ed: {  	v6 =	vld [tilespmem:s2+$0xFFFFFF30];
	[tilespmem:s2+$0xFFFFFF90] =	vst v5  }
0x1ee: {  	[tilespmem:s2+$0xFFFFFF10] =	vst v3;
	v3 =	vld [tilespmem:s2+$0xFFFFFFB0]  }
0x1ef: {  	v5 =	vld.idx.msk [tilespmem:v9+s24+$0x0], $0xffff  }
0x1f0: {  	[tilespmem:s2+$0x10] =	vst v2;
	v2 =	vld.idx.msk [tilespmem:v8+s24+$0x0], $0xffff  }
0x1f1: {  	v7 =	vld [tilespmem:s2+$0x30]  }
0x1f2: {  	v60 =	vld [tilespmem:s3+$0xFFFFFFE0]  }
0x1f3: {  	v4 =	vld.idx.msk [tilespmem:v4+s24+$0x0], $0xffff  }
0x1f4: {  	[tilespmem:s2+$0xFFFFFFA0] =	vst v5;
	v5 =	vld [tilespmem:s2+$0xFFFFFF40]  }
0x1f5: {  	[tilespmem:s2+$0xFFFFFF20] =	vst v2;
	v2 =	vld [tilespmem:s2+$0xFFFFFFC0]  }
0x1f6: {  	v6 =	vld.idx.msk [tilespmem:v6+s24+$0x0], $0xffff  }
0x1f7: {  	v3 =	vld.idx.msk [tilespmem:v3+s24+$0x0], $0xffff  }
0x1f8: {  	v0 =	vld [tilespmem:s2+$0xA0];
	[tilespmem:s2+$0x20] =	vst v4  }
0x1f9: {  	v4 =	vld.idx.msk [tilespmem:v7+s24+$0x0], $0xffff  }
0x1fa: {  	v7 =	vld [tilespmem:s2+$0x40]  }
0x1fb: {  	[tilespmem:s2+$0xFFFFFF30] =	vst v6;
	v6 =	vld [tilespmem:s2+$0xFFFFFF50]  }
0x1fc: {  	[tilespmem:s2+$0xFFFFFFB0] =	vst v3;
	v3 =	vld [tilespmem:s2+$0xFFFFFFD0]  }
0x1fd: {  	v5 =	vld.idx.msk [tilespmem:v5+s24+$0x0], $0xffff  }
0x1fe: {  	v2 =	vld.idx.msk [tilespmem:v2+s24+$0x0], $0xffff  }
0x1ff: {  	v61 =	vld [tilespmem:s3+$0x60]  }
0x200: {  	[tilespmem:s2+$0x30] =	vst v4;
	v4 =	vld [tilespmem:s2+$0x50]  }
0x201: {  	[tilespmem:s2+$0x90] =	vst v1;
	v1 =	vld [tilespmem:s2+$0xB0]  }
0x202: {  	[tilespmem:s2+$0xFFFFFF40] =	vst v5;
	v5 =	vld.idx.msk [tilespmem:v7+s24+$0x0], $0xffff  }
0x203: {  	[tilespmem:s2+$0xFFFFFFC0] =	vst v2;
	v2 =	vld [tilespmem:s2+$0xFFFFFF60]  }
0x204: {  	v6 =	vld.idx.msk [tilespmem:v6+s24+$0x0], $0xffff  }
0x205: {  	v0 =	vld.idx.msk [tilespmem:v0+s24+$0x0], $0xffff  }
0x206: {  	v3 =	vld.idx.msk [tilespmem:v3+s24+$0x0], $0xffff  }
0x207: {  	[tilespmem:s2+$0x40] =	vst v5;
	v5 =	vld [tilespmem:s2+$0x60]  }
0x208: {  	v4 =	vld.idx.msk [tilespmem:v4+s24+$0x0], $0xffff  }
0x209: {  	[tilespmem:s2+$0xFFFFFF50] =	vst v6;
	v6 =	vld [tilespmem:s2+$0xFFFFFF70]  }
0x20a: {  	v62 =	vld [tilespmem:s3+$0xFFFFFF70]  }
0x20b: {  	v2 =	vld.idx.msk [tilespmem:v2+s24+$0x0], $0xffff  }
0x20c: {  	[tilespmem:s2+$0xFFFFFFD0] =	vst v3;
	v3 =	vld [tilespmem:s3+$0x80]  }
0x20d: {  	[tilespmem:s2+$0xA0] =	vst v0;
	v0 =	vld [tilespmem:s2+$0xC0]  }
0x20e: {  	[tilespmem:s2+$0x50] =	vst v4;
	v4 =	vld [tilespmem:s3+$0xFFFFFF80]  }
0x20f: {  	v1 =	vld.idx.msk [tilespmem:v1+s24+$0x0], $0xffff  }
0x210: {  	[tilespmem:s2+$0xFFFFFF60] =	vst v2;
	v2 =	vld.idx.msk [tilespmem:v5+s24+$0x0], $0xffff  }
0x211: {  	v5 =	vld.idx.msk [tilespmem:v6+s24+$0x0], $0xffff  }
0x212: {  	v6 =	vld [tilespmem:s3+$0x0]  }
0x213: {  	v8 =	vld [tilespmem:s2+$0xFFFFFFF0]  }
0x214: {  	v3 =	vld.idx.msk [tilespmem:v3+s24+$0x0], $0xffff  }
0x215: {  	[tilespmem:s2+$0xB0] =	vst v1;
	v1 =	vld [tilespmem:s2+$0xD0]  }
0x216: {  	v4 =	vld.idx.msk [tilespmem:v4+s24+$0x0], $0xffff  }
0x217: {  	v0 =	vld.idx.msk [tilespmem:v0+s24+$0x0], $0xffff  }
0x218: {  	v9 =	vld.idx.msk [tilespmem:v49+s24+$0x0], $0xffff  }
0x219: {  	[tilespmem:s3+$0x80] =	vst v3;
	v3 =	vld [tilespmem:s3+$0xA0]  }
0x21a: {  	v6 =	vld.idx.msk [tilespmem:v6+s24+$0x0], $0xffff  }
0x21b: {  	[tilespmem:s3+$0xFFFFFF80] =	vst v4;
	v4 =	vld.idx.msk [tilespmem:v13+s24+$0x0], $0xffff  }
0x21c: {  	[tilespmem:s2+$0xC0] =	vst v0;
	v0 =	vld [tilespmem:s2+$0xE0]  }
0x21d: {  	v1 =	vld.idx.msk [tilespmem:v1+s24+$0x0], $0xffff  }
0x21e: {  	[tilespmem:s3+$0xFFFFFF00] =	vst v9;
	v11 =	vld.idx.msk [tilespmem:v11+s24+$0x0], $0xffff  }
0x21f: {  	v9 =	vld.idx.msk [tilespmem:v10+s24+$0x0], $0xffff;
	[tilespmem:s3+$0x0] =	vst v6  }
0x220: {  	[tilespmem:s3+$0x90] =	vst v4;
	v4 =	vld [tilespmem:s3+$0xB0]  }
0x221: {  	v6 =	vld.idx.msk [tilespmem:v12+s24+$0x0], $0xffff  }
0x222: {  	[tilespmem:s2+$0xD0] =	vst v1;
	v3 =	vld.idx.msk [tilespmem:v3+s24+$0x0], $0xffff  }
0x223: {  	v1 =	vld [tilespmem:s2+$0xF0];
	[tilespmem:s3+$0xFFFFFF90] =	vst v11  }
0x224: {  	v11 =	vld.idx.msk [tilespmem:v15+s24+$0x0], $0xffff  }
0x225: {  	[tilespmem:s3+$0xFFFFFF10] =	vst v9;
	v0 =	vld.idx.msk [tilespmem:v0+s24+$0x0], $0xffff  }
0x226: {  	[tilespmem:s3+$0x10] =	vst v6;
	v6 =	vld.idx.msk [tilespmem:v14+s24+$0x0], $0xffff  }
0x227: {  	[tilespmem:s3+$0xA0] =	vst v3;
	v3 =	vld [tilespmem:s3+$0xC0]  }
0x228: {  	v4 =	vld.idx.msk [tilespmem:v4+s24+$0x0], $0xffff  }
0x229: {  	v10 =	vld.idx.msk [tilespmem:v50+s24+$0x0], $0xffff;
	[tilespmem:s3+$0xFFFFFFA0] =	vst v11  }
0x22a: {  	v9 =	vld.idx.msk [tilespmem:v52+s24+$0x0], $0xffff  }
0x22b: {  	[tilespmem:s3+$0xFFFFFF20] =	vst v6;
	v6 =	vld [tilespmem:s3+$0xFFFFFFC0]  }
0x22c: {  	v12 =	vld.idx.msk [tilespmem:v51+s24+$0x0], $0xffff  }
0x22d: {  	[tilespmem:s3+$0xB0] =	vst v4;
	v4 =	vld [tilespmem:s3+$0xD0]  }
0x22e: {  	v7 =	vld [tilespmem:s2+$0xFFFFFFE0]  }
0x22f: {  	[tilespmem:s2+$0xE0] =	vst v0;
	v3 =	vld.idx.msk [tilespmem:v3+s24+$0x0], $0xffff  }
0x230: {  	v0 =	vld.idx.msk [tilespmem:v1+s24+$0x0], $0xffff;
	[tilespmem:s3+$0x20] =	vst v10  }
0x231: {  	v10 =	vld.idx.msk [tilespmem:v53+s24+$0x0], $0xffff;
	[tilespmem:s3+$0xFFFFFF30] =	vst v12  }
0x232: {  	[tilespmem:s3+$0xFFFFFFB0] =	vst v9;
	v11 =	vld.idx.msk [tilespmem:v54+s24+$0x0], $0xffff  }
0x233: {  	v6 =	vld.idx.msk [tilespmem:v6+s24+$0x0], $0xffff  }
0x234: {  	[tilespmem:s3+$0xC0] =	vst v3;
	v3 =	vld [tilespmem:s3+$0xE0]  }
0x235: {  	v4 =	vld.idx.msk [tilespmem:v4+s24+$0x0], $0xffff  }
0x236: {  	v1 =	vld.idx.msk [tilespmem:v7+s24+$0x0], $0xffff;
	[tilespmem:s3+$0x30] =	vst v10  }
0x237: {  	v59 =	vld.idx.msk [tilespmem:v55+s24+$0x0], $0xffff;
	[tilespmem:s3+$0xFFFFFF40] =	vst v11  }
0x238: {  	[tilespmem:s3+$0xFFFFFFC0] =	vst v6;
	v6 =	vld [tilespmem:s3+$0xFFFFFF60]  }
0x239: {  	v12 =	vld.idx.msk [tilespmem:v56+s24+$0x0], $0xffff  }
0x23a: {  	[tilespmem:s3+$0xD0] =	vst v4;
	v4 =	vld [tilespmem:s3+$0xF0]  }
0x23b: {  	v9 =	vld.idx.msk [tilespmem:v57+s24+$0x0], $0xffff  }
0x23c: {  	v3 =	vld.idx.msk [tilespmem:v3+s24+$0x0], $0xffff  }
0x23d: {  	v7 =	vld [tilespmem:s2+$0x70];
	[tilespmem:s2+$0xF0] =	vst v0  }
0x23e: {  	v0 =	vld [tilespmem:s3+$0xFFFFFFF0];
	[tilespmem:s3+$0x40] =	vst v59  }
0x23f: {  	v10 =	vld.idx.msk [tilespmem:v58+s24+$0x0], $0xffff;
	[tilespmem:s3+$0xFFFFFF50] =	vst v12  }
0x240: {  	[tilespmem:s3+$0xFFFFFFD0] =	vst v9;
	v6 =	vld.idx.msk [tilespmem:v6+s24+$0x0], $0xffff  }
0x241: {  	[tilespmem:s3+$0xE0] =	vst v3;
	v3 =	vld.idx.msk [tilespmem:v60+s24+$0x0], $0xffff  }
0x242: {  	[tilespmem:s2+$0x60] =	vst v2;
	v63 =	vld.idx.msk [tilespmem:v4+s24+$0x0], $0xffff  }
0x243: {  	[tilespmem:s2+$0xFFFFFFE0] =	vst v1;
	v4 =	vld [tilespmem:s3+$0x70]  }
0x244: {  	[tilespmem:s2+$0xFFFFFF70] =	vst v5;
	v2 =	vld.idx.msk [tilespmem:v8+s24+$0x0], $0xffff  }
0x245: {  	v7 =	vld.idx.msk [tilespmem:v7+s24+$0x0], $0xffff;
	[tilespmem:s3+$0x50] =	vst v10  }
0x246: {  	[tilespmem:s3+$0xFFFFFF60] =	vst v6;
	v6 =	vld.idx.msk [tilespmem:v61+s24+$0x0], $0xffff  }
0x247: {  	s17 =	simm.s32 $0x4;
	s22 =	simm.s32 $0x1E4F0;
	v5 =	vld.idx.msk [tilespmem:v62+s24+$0x0], $0xffff;
	[tilespmem:s3+$0xF0] =	vst v63  }
.LBB2_6:
0x248: {  	v8 =	vld [tilespmem:s22+$0x80];
	s17 =	sadd.s32 $0x4, s17;
	[tilespmem:s3+$0xFFFFFFE0] =	vst v3;
	v1 =	vmov v4  }
0x249: {  	v3 =	vld [tilespmem:s22+$0xFFFFFF80];
	p0 =	slt.u32 s17, $0x24  }
0x24a: {  	v4 =	vld [tilespmem:s22+$0x0];
	[tilespmem:s2+$0xFFFFFFF0] =	vst v2  }
0x24b: {  	v2 =	vld [tilespmem:s22+$0xFFFFFF00];
	[tilespmem:s3+$0x60] =	vst v6  }
0x24c: {  	v6 =	vld [tilespmem:s22+$0xFFFFFF10];
	[tilespmem:s3+$0xFFFFFF70] =	vst v5  }
0x24d: {  	v5 =	vld [tilespmem:s22+$0xFFFFFF90];
	[tilespmem:s2+$0x70] =	vst v7;
	s2 =	smov.u32 s3;
	s3 =	smov.u32 s22  }
0x24e: {  	v7 =	vld [tilespmem:s22+$0x10]  }
0x24f: {  	v9 =	vld [tilespmem:s22+$0x90]  }
0x250: {  	v8 =	vld.idx.msk [tilespmem:v8+s24+$0x0], $0xffff  }
0x251: {  	v3 =	vld.idx.msk [tilespmem:v3+s24+$0x0], $0xffff  }
0x252: {  	v4 =	vld.idx.msk [tilespmem:v4+s24+$0x0], $0xffff  }
0x253: {  	v2 =	vld.idx.msk [tilespmem:v2+s24+$0x0], $0xffff  }
0x254: {  	v10 =	vld [tilespmem:s22+$0xFFFFFF20]  }
0x255: {  	v11 =	vld [tilespmem:s22+$0xFFFFFFA0]  }
0x256: {  	[tilespmem:s22+$0x80] =	vst v8;
	v8 =	vld [tilespmem:s22+$0xA0]  }
0x257: {  	[tilespmem:s22+$0xFFFFFF80] =	vst v3;
	v3 =	vld.idx.msk [tilespmem:v9+s24+$0x0], $0xffff  }
0x258: {  	v5 =	vld.idx.msk [tilespmem:v5+s24+$0x0], $0xffff;
	[tilespmem:s22+$0x0] =	vst v4  }
0x259: {  	[tilespmem:s22+$0xFFFFFF00] =	vst v2;
	v2 =	vld.idx.msk [tilespmem:v7+s24+$0x0], $0xffff  }
0x25a: {  	v4 =	vld.idx.msk [tilespmem:v6+s24+$0x0], $0xffff  }
0x25b: {  	v6 =	vld [tilespmem:s22+$0x20]  }
0x25c: {  	v7 =	vld [tilespmem:s22+$0xFFFFFF30]  }
0x25d: {  	[tilespmem:s22+$0x90] =	vst v3;
	v3 =	vld [tilespmem:s22+$0xB0]  }
0x25e: {  	[tilespmem:s22+$0xFFFFFF90] =	vst v5;
	v5 =	vld.idx.msk [tilespmem:v8+s24+$0x0], $0xffff  }
0x25f: {  	v8 =	vld.idx.msk [tilespmem:v11+s24+$0x0], $0xffff;
	[tilespmem:s22+$0x10] =	vst v2  }
0x260: {  	[tilespmem:s22+$0xFFFFFF10] =	vst v4;
	v2 =	vld [tilespmem:s22+$0xFFFFFFB0]  }
0x261: {  	v4 =	vld.idx.msk [tilespmem:v10+s24+$0x0], $0xffff  }
0x262: {  	v9 =	vld [tilespmem:s22+$0x30]  }
0x263: {  	v6 =	vld.idx.msk [tilespmem:v6+s24+$0x0], $0xffff  }
0x264: {  	[tilespmem:s22+$0xA0] =	vst v5;
	v5 =	vld [tilespmem:s22+$0xC0]  }
0x265: {  	[tilespmem:s22+$0xFFFFFFA0] =	vst v8;
	v3 =	vld.idx.msk [tilespmem:v3+s24+$0x0], $0xffff  }
0x266: {  	v8 =	vld [tilespmem:s22+$0xFFFFFF40]  }
0x267: {  	[tilespmem:s22+$0xFFFFFF20] =	vst v4;
	v4 =	vld [tilespmem:s22+$0xFFFFFFC0]  }
0x268: {  	v7 =	vld.idx.msk [tilespmem:v7+s24+$0x0], $0xffff  }
0x269: {  	v2 =	vld.idx.msk [tilespmem:v2+s24+$0x0], $0xffff;
	[tilespmem:s22+$0x20] =	vst v6  }
0x26a: {  	v6 =	vld.idx.msk [tilespmem:v9+s24+$0x0], $0xffff  }
0x26b: {  	[tilespmem:s22+$0xB0] =	vst v3;
	v3 =	vld [tilespmem:s22+$0xD0]  }
0x26c: {  	v5 =	vld.idx.msk [tilespmem:v5+s24+$0x0], $0xffff  }
0x26d: {  	v9 =	vld [tilespmem:s22+$0x40]  }
0x26e: {  	[tilespmem:s22+$0xFFFFFF30] =	vst v7;
	v7 =	vld [tilespmem:s22+$0xFFFFFF50]  }
0x26f: {  	v8 =	vld.idx.msk [tilespmem:v8+s24+$0x0], $0xffff;
	[tilespmem:s22+$0xFFFFFFB0] =	vst v2  }
0x270: {  	v2 =	vld.idx.msk [tilespmem:v4+s24+$0x0], $0xffff;
	[tilespmem:s22+$0x30] =	vst v6  }
0x271: {  	v4 =	vld [tilespmem:s22+$0xFFFFFFD0]  }
0x272: {  	[tilespmem:s22+$0xC0] =	vst v5;
	v5 =	vld [tilespmem:s22+$0xE0]  }
0x273: {  	v3 =	vld.idx.msk [tilespmem:v3+s24+$0x0], $0xffff  }
0x274: {  	v6 =	vld [tilespmem:s22+$0x50]  }
0x275: {  	[tilespmem:s22+$0xFFFFFF40] =	vst v8;
	v8 =	vld.idx.msk [tilespmem:v9+s24+$0x0], $0xffff  }
0x276: {  	v7 =	vld.idx.msk [tilespmem:v7+s24+$0x0], $0xffff;
	[tilespmem:s22+$0xFFFFFFC0] =	vst v2  }
0x277: {  	v2 =	vld [tilespmem:s22+$0xFFFFFF60]  }
0x278: {  	v9 =	vld [tilespmem:s22+$0xFFFFFFE0]  }
0x279: {  	[tilespmem:s22+$0xD0] =	vst v3;
	v3 =	vld [tilespmem:s22+$0xF0]  }
0x27a: {  	v5 =	vld.idx.msk [tilespmem:v5+s24+$0x0], $0xffff  }
0x27b: {  	v4 =	vld.idx.msk [tilespmem:v4+s24+$0x0], $0xffff;
	[tilespmem:s22+$0x40] =	vst v8  }
0x27c: {  	[tilespmem:s22+$0xFFFFFF50] =	vst v7;
	v6 =	vld.idx.msk [tilespmem:v6+s24+$0x0], $0xffff  }
0x27d: {  	v7 =	vld [tilespmem:s22+$0x60]  }
0x27e: {  	v8 =	vld [tilespmem:s22+$0xFFFFFF70]  }
0x27f: {  	v10 =	vld.idx.msk [tilespmem:v2+s24+$0x0], $0xffff  }
0x280: {  	v11 =	vld [tilespmem:s22+$0xFFFFFFF0];
	[tilespmem:s22+$0xE0] =	vst v5  }
0x281: {  	[tilespmem:s22+$0xFFFFFFD0] =	vst v4;
	v12 =	vld.idx.msk [tilespmem:v3+s24+$0x0], $0xffff  }
0x282: {  	v3 =	vld.idx.msk [tilespmem:v9+s24+$0x0], $0xffff;
	[tilespmem:s22+$0x50] =	vst v6  }
.Ltmp2:
0x283: {  	v4 =	vld [tilespmem:s22+$0x70];
	(pc) =	sbr.rel @p0 .LBB2_6-.Ltmp2, $4  }
0x284: {  	v2 =	vld.idx.msk [tilespmem:v0+s24+$0x0], $0xffff  }
0x285: {  	[tilespmem:s22+$0xFFFFFF60] =	vst v10;
	v6 =	vld.idx.msk [tilespmem:v7+s24+$0x0], $0xffff;
	v0 =	vmov v11  }
0x286: {  	v5 =	vld.idx.msk [tilespmem:v8+s24+$0x0], $0xffff  }
0x287: {  	s22 =	sadd.s32 $0x200, s22;
	[tilespmem:s3+$0xF0] =	vst v12;
	v7 =	vld.idx.msk [tilespmem:v1+s24+$0x0], $0xffff  }
0x288: {  	_ =	sdelay $0x2  }
0x289: {  	[tilespmem:s3+$0xFFFFFFE0] =	vst v3  }
0x28a: {  	v0 =	vld.idx.msk [tilespmem:v0+s24+$0x0], $0xffff;
	[tilespmem:s3+$0x60] =	vst v6  }
0x28b: {  	v1 =	vld.idx.msk [tilespmem:v4+s24+$0x0], $0xffff  }
0x28c: {  	[tilespmem:s2+$0xFFFFFFF0] =	vst v2  }
0x28d: {  	[tilespmem:s3+$0xFFFFFF70] =	vst v5  }
0x28e: {  	[tilespmem:s2+$0x70] =	vst v7  }
0x28f: {  	[tilespmem:s3+$0xFFFFFFF0] =	vst v0  }
0x290: {  	s22 =	simm.s32 $0x1DFF0;
	[tilespmem:s3+$0x70] =	vst v1  }
0x291: {  	[hbm4b:s13+s18] =	stream.strided.scatter [tilespmem:s22], [sflag:$0x7], $0x1400, s19, s18, $0x38;
	[tilespmem:$0x1F3F0] =	vst v63  }
0x292: {  	_ =	swait.ge [sflag:s26], $0x1400  }
0x293: {  	[sflag:s26] =	ssyncset.done $0x0  }
0x294: {  	s2 =	simm.s32 $0x1B8F0;
	[sflag:s26] =	ssyncadd.s32 $0xFFFFEC00  }
0x295: {  	v0 =	vld [tilespmem:s2+$0x80]  }
0x296: {  	v1 =	vld [tilespmem:s2+$0xFFFFFF80]  }
0x297: {  	v2 =	vld [tilespmem:s2+$0x0]  }
0x298: {  	v3 =	vld [tilespmem:s2+$0xFFFFFF00]  }
0x299: {  	v4 =	vld [tilespmem:s2+$0xFFFFFF10]  }
0x29a: {  	v5 =	vld [tilespmem:s2+$0xFFFFFF90]  }
0x29b: {  	v6 =	vld [tilespmem:s2+$0x10]  }
0x29c: {  	v7 =	vld [tilespmem:s2+$0x90]  }
0x29d: {  	v8 =	vld [tilespmem:s2+$0xFFFFFF20]  }
0x29e: {  	s3 =	simm.s32 $0x1BAF0;
	v9 =	vld [tilespmem:s2+$0xFFFFFFA0]  }
0x29f: {  	v49 =	vld [tilespmem:s3+$0xFFFFFF00]  }
0x2a0: {  	v10 =	vld [tilespmem:s3+$0xFFFFFF10]  }
0x2a1: {  	v11 =	vld [tilespmem:s3+$0xFFFFFF90]  }
0x2a2: {  	v12 =	vld [tilespmem:s3+$0x10]  }
0x2a3: {  	v13 =	vld [tilespmem:s3+$0x90]  }
0x2a4: {  	v14 =	vld [tilespmem:s3+$0xFFFFFF20]  }
0x2a5: {  	v15 =	vld [tilespmem:s3+$0xFFFFFFA0]  }
0x2a6: {  	v50 =	vld [tilespmem:s3+$0x20]  }
0x2a7: {  	v51 =	vld [tilespmem:s3+$0xFFFFFF30]  }
0x2a8: {  	v52 =	vld [tilespmem:s3+$0xFFFFFFB0]  }
0x2a9: {  	v53 =	vld [tilespmem:s3+$0x30]  }
0x2aa: {  	v54 =	vld [tilespmem:s3+$0xFFFFFF40]  }
0x2ab: {  	v55 =	vld [tilespmem:s3+$0x40]  }
0x2ac: {  	v56 =	vld [tilespmem:s3+$0xFFFFFF50]  }
0x2ad: {  	v1 =	vld.idx.msk [tilespmem:v1+s24+$0x0], $0xffff  }
0x2ae: {  	v3 =	vld.idx.msk [tilespmem:v3+s24+$0x0], $0xffff  }
0x2af: {  	v2 =	vld.idx.msk [tilespmem:v2+s24+$0x0], $0xffff  }
0x2b0: {  	v57 =	vld [tilespmem:s3+$0xFFFFFFD0]  }
0x2b1: {  	v0 =	vld.idx.msk [tilespmem:v0+s24+$0x0], $0xffff  }
0x2b2: {  	v58 =	vld [tilespmem:s3+$0x50];
	[tilespmem:s2+$0xFFFFFF80] =	vst v1  }
0x2b3: {  	[tilespmem:s2+$0xFFFFFF00] =	vst v3;
	v5 =	vld.idx.msk [tilespmem:v5+s24+$0x0], $0xffff  }
0x2b4: {  	[tilespmem:s2+$0x0] =	vst v2;
	v3 =	vld.idx.msk [tilespmem:v4+s24+$0x0], $0xffff  }
0x2b5: {  	v2 =	vld.idx.msk [tilespmem:v6+s24+$0x0], $0xffff  }
0x2b6: {  	[tilespmem:s2+$0x80] =	vst v0;
	v4 =	vld [tilespmem:s2+$0x20]  }
0x2b7: {  	v1 =	vld.idx.msk [tilespmem:v7+s24+$0x0], $0xffff  }
0x2b8: {  	v6 =	vld [tilespmem:s2+$0xFFFFFF30];
	[tilespmem:s2+$0xFFFFFF90] =	vst v5  }
0x2b9: {  	[tilespmem:s2+$0xFFFFFF10] =	vst v3;
	v3 =	vld [tilespmem:s2+$0xFFFFFFB0]  }
0x2ba: {  	v5 =	vld.idx.msk [tilespmem:v9+s24+$0x0], $0xffff  }
0x2bb: {  	[tilespmem:s2+$0x10] =	vst v2;
	v2 =	vld.idx.msk [tilespmem:v8+s24+$0x0], $0xffff  }
0x2bc: {  	v7 =	vld [tilespmem:s2+$0x30]  }
0x2bd: {  	v60 =	vld [tilespmem:s3+$0xFFFFFFE0]  }
0x2be: {  	v4 =	vld.idx.msk [tilespmem:v4+s24+$0x0], $0xffff  }
0x2bf: {  	[tilespmem:s2+$0xFFFFFFA0] =	vst v5;
	v5 =	vld [tilespmem:s2+$0xFFFFFF40]  }
0x2c0: {  	[tilespmem:s2+$0xFFFFFF20] =	vst v2;
	v2 =	vld [tilespmem:s2+$0xFFFFFFC0]  }
0x2c1: {  	v6 =	vld.idx.msk [tilespmem:v6+s24+$0x0], $0xffff  }
0x2c2: {  	v3 =	vld.idx.msk [tilespmem:v3+s24+$0x0], $0xffff  }
0x2c3: {  	v0 =	vld [tilespmem:s2+$0xA0];
	[tilespmem:s2+$0x20] =	vst v4  }
0x2c4: {  	v4 =	vld.idx.msk [tilespmem:v7+s24+$0x0], $0xffff  }
0x2c5: {  	v7 =	vld [tilespmem:s2+$0x40]  }
0x2c6: {  	[tilespmem:s2+$0xFFFFFF30] =	vst v6;
	v6 =	vld [tilespmem:s2+$0xFFFFFF50]  }
0x2c7: {  	[tilespmem:s2+$0xFFFFFFB0] =	vst v3;
	v3 =	vld [tilespmem:s2+$0xFFFFFFD0]  }
0x2c8: {  	v5 =	vld.idx.msk [tilespmem:v5+s24+$0x0], $0xffff  }
0x2c9: {  	v2 =	vld.idx.msk [tilespmem:v2+s24+$0x0], $0xffff  }
0x2ca: {  	v61 =	vld [tilespmem:s3+$0x60]  }
0x2cb: {  	[tilespmem:s2+$0x30] =	vst v4;
	v4 =	vld [tilespmem:s2+$0x50]  }
0x2cc: {  	[tilespmem:s2+$0x90] =	vst v1;
	v1 =	vld [tilespmem:s2+$0xB0]  }
0x2cd: {  	[tilespmem:s2+$0xFFFFFF40] =	vst v5;
	v5 =	vld.idx.msk [tilespmem:v7+s24+$0x0], $0xffff  }
0x2ce: {  	[tilespmem:s2+$0xFFFFFFC0] =	vst v2;
	v2 =	vld [tilespmem:s2+$0xFFFFFF60]  }
0x2cf: {  	v6 =	vld.idx.msk [tilespmem:v6+s24+$0x0], $0xffff  }
0x2d0: {  	v0 =	vld.idx.msk [tilespmem:v0+s24+$0x0], $0xffff  }
0x2d1: {  	v3 =	vld.idx.msk [tilespmem:v3+s24+$0x0], $0xffff  }
0x2d2: {  	[tilespmem:s2+$0x40] =	vst v5;
	v5 =	vld [tilespmem:s2+$0x60]  }
0x2d3: {  	v4 =	vld.idx.msk [tilespmem:v4+s24+$0x0], $0xffff  }
0x2d4: {  	[tilespmem:s2+$0xFFFFFF50] =	vst v6;
	v6 =	vld [tilespmem:s2+$0xFFFFFF70]  }
0x2d5: {  	v62 =	vld [tilespmem:s3+$0xFFFFFF70]  }
0x2d6: {  	v2 =	vld.idx.msk [tilespmem:v2+s24+$0x0], $0xffff  }
0x2d7: {  	[tilespmem:s2+$0xFFFFFFD0] =	vst v3;
	v3 =	vld [tilespmem:s3+$0x80]  }
0x2d8: {  	[tilespmem:s2+$0xA0] =	vst v0;
	v0 =	vld [tilespmem:s2+$0xC0]  }
0x2d9: {  	[tilespmem:s2+$0x50] =	vst v4;
	v4 =	vld [tilespmem:s3+$0xFFFFFF80]  }
0x2da: {  	v1 =	vld.idx.msk [tilespmem:v1+s24+$0x0], $0xffff  }
0x2db: {  	[tilespmem:s2+$0xFFFFFF60] =	vst v2;
	v2 =	vld.idx.msk [tilespmem:v5+s24+$0x0], $0xffff  }
0x2dc: {  	v5 =	vld.idx.msk [tilespmem:v6+s24+$0x0], $0xffff  }
0x2dd: {  	v6 =	vld [tilespmem:s3+$0x0]  }
0x2de: {  	v8 =	vld [tilespmem:s2+$0xFFFFFFF0]  }
0x2df: {  	v3 =	vld.idx.msk [tilespmem:v3+s24+$0x0], $0xffff  }
0x2e0: {  	[tilespmem:s2+$0xB0] =	vst v1;
	v1 =	vld [tilespmem:s2+$0xD0]  }
0x2e1: {  	v4 =	vld.idx.msk [tilespmem:v4+s24+$0x0], $0xffff  }
0x2e2: {  	v0 =	vld.idx.msk [tilespmem:v0+s24+$0x0], $0xffff  }
0x2e3: {  	v9 =	vld.idx.msk [tilespmem:v49+s24+$0x0], $0xffff  }
0x2e4: {  	[tilespmem:s3+$0x80] =	vst v3;
	v3 =	vld [tilespmem:s3+$0xA0]  }
0x2e5: {  	v6 =	vld.idx.msk [tilespmem:v6+s24+$0x0], $0xffff  }
0x2e6: {  	[tilespmem:s3+$0xFFFFFF80] =	vst v4;
	v4 =	vld.idx.msk [tilespmem:v13+s24+$0x0], $0xffff  }
0x2e7: {  	[tilespmem:s2+$0xC0] =	vst v0;
	v0 =	vld [tilespmem:s2+$0xE0]  }
0x2e8: {  	v1 =	vld.idx.msk [tilespmem:v1+s24+$0x0], $0xffff  }
0x2e9: {  	[tilespmem:s3+$0xFFFFFF00] =	vst v9;
	v11 =	vld.idx.msk [tilespmem:v11+s24+$0x0], $0xffff  }
0x2ea: {  	v9 =	vld.idx.msk [tilespmem:v10+s24+$0x0], $0xffff;
	[tilespmem:s3+$0x0] =	vst v6  }
0x2eb: {  	[tilespmem:s3+$0x90] =	vst v4;
	v4 =	vld [tilespmem:s3+$0xB0]  }
0x2ec: {  	v6 =	vld.idx.msk [tilespmem:v12+s24+$0x0], $0xffff  }
0x2ed: {  	[tilespmem:s2+$0xD0] =	vst v1;
	v3 =	vld.idx.msk [tilespmem:v3+s24+$0x0], $0xffff  }
0x2ee: {  	v1 =	vld [tilespmem:s2+$0xF0];
	[tilespmem:s3+$0xFFFFFF90] =	vst v11  }
0x2ef: {  	v11 =	vld.idx.msk [tilespmem:v15+s24+$0x0], $0xffff  }
0x2f0: {  	[tilespmem:s3+$0xFFFFFF10] =	vst v9;
	v0 =	vld.idx.msk [tilespmem:v0+s24+$0x0], $0xffff  }
0x2f1: {  	[tilespmem:s3+$0x10] =	vst v6;
	v6 =	vld.idx.msk [tilespmem:v14+s24+$0x0], $0xffff  }
0x2f2: {  	[tilespmem:s3+$0xA0] =	vst v3;
	v3 =	vld [tilespmem:s3+$0xC0]  }
0x2f3: {  	v4 =	vld.idx.msk [tilespmem:v4+s24+$0x0], $0xffff  }
0x2f4: {  	v10 =	vld.idx.msk [tilespmem:v50+s24+$0x0], $0xffff;
	[tilespmem:s3+$0xFFFFFFA0] =	vst v11  }
0x2f5: {  	v9 =	vld.idx.msk [tilespmem:v52+s24+$0x0], $0xffff  }
0x2f6: {  	[tilespmem:s3+$0xFFFFFF20] =	vst v6;
	v6 =	vld [tilespmem:s3+$0xFFFFFFC0]  }
0x2f7: {  	v12 =	vld.idx.msk [tilespmem:v51+s24+$0x0], $0xffff  }
0x2f8: {  	[tilespmem:s3+$0xB0] =	vst v4;
	v4 =	vld [tilespmem:s3+$0xD0]  }
0x2f9: {  	v7 =	vld [tilespmem:s2+$0xFFFFFFE0]  }
0x2fa: {  	[tilespmem:s2+$0xE0] =	vst v0;
	v3 =	vld.idx.msk [tilespmem:v3+s24+$0x0], $0xffff  }
0x2fb: {  	v0 =	vld.idx.msk [tilespmem:v1+s24+$0x0], $0xffff;
	[tilespmem:s3+$0x20] =	vst v10  }
0x2fc: {  	v10 =	vld.idx.msk [tilespmem:v53+s24+$0x0], $0xffff;
	[tilespmem:s3+$0xFFFFFF30] =	vst v12  }
0x2fd: {  	[tilespmem:s3+$0xFFFFFFB0] =	vst v9;
	v11 =	vld.idx.msk [tilespmem:v54+s24+$0x0], $0xffff  }
0x2fe: {  	v6 =	vld.idx.msk [tilespmem:v6+s24+$0x0], $0xffff  }
0x2ff: {  	[tilespmem:s3+$0xC0] =	vst v3;
	v3 =	vld [tilespmem:s3+$0xE0]  }
0x300: {  	v4 =	vld.idx.msk [tilespmem:v4+s24+$0x0], $0xffff  }
0x301: {  	v1 =	vld.idx.msk [tilespmem:v7+s24+$0x0], $0xffff;
	[tilespmem:s3+$0x30] =	vst v10  }
0x302: {  	v59 =	vld.idx.msk [tilespmem:v55+s24+$0x0], $0xffff;
	[tilespmem:s3+$0xFFFFFF40] =	vst v11  }
0x303: {  	[tilespmem:s3+$0xFFFFFFC0] =	vst v6;
	v6 =	vld [tilespmem:s3+$0xFFFFFF60]  }
0x304: {  	v12 =	vld.idx.msk [tilespmem:v56+s24+$0x0], $0xffff  }
0x305: {  	[tilespmem:s3+$0xD0] =	vst v4;
	v4 =	vld [tilespmem:s3+$0xF0]  }
0x306: {  	v9 =	vld.idx.msk [tilespmem:v57+s24+$0x0], $0xffff  }
0x307: {  	v3 =	vld.idx.msk [tilespmem:v3+s24+$0x0], $0xffff  }
0x308: {  	v7 =	vld [tilespmem:s2+$0x70];
	[tilespmem:s2+$0xF0] =	vst v0  }
0x309: {  	v0 =	vld [tilespmem:s3+$0xFFFFFFF0];
	[tilespmem:s3+$0x40] =	vst v59  }
0x30a: {  	v10 =	vld.idx.msk [tilespmem:v58+s24+$0x0], $0xffff;
	[tilespmem:s3+$0xFFFFFF50] =	vst v12  }
0x30b: {  	[tilespmem:s3+$0xFFFFFFD0] =	vst v9;
	v6 =	vld.idx.msk [tilespmem:v6+s24+$0x0], $0xffff  }
0x30c: {  	[tilespmem:s3+$0xE0] =	vst v3;
	v3 =	vld.idx.msk [tilespmem:v60+s24+$0x0], $0xffff  }
0x30d: {  	[tilespmem:s2+$0x60] =	vst v2;
	v63 =	vld.idx.msk [tilespmem:v4+s24+$0x0], $0xffff  }
0x30e: {  	[tilespmem:s2+$0xFFFFFFE0] =	vst v1;
	v4 =	vld [tilespmem:s3+$0x70]  }
0x30f: {  	[tilespmem:s2+$0xFFFFFF70] =	vst v5;
	v2 =	vld.idx.msk [tilespmem:v8+s24+$0x0], $0xffff  }
0x310: {  	v7 =	vld.idx.msk [tilespmem:v7+s24+$0x0], $0xffff;
	[tilespmem:s3+$0x50] =	vst v10  }
0x311: {  	[tilespmem:s3+$0xFFFFFF60] =	vst v6;
	v6 =	vld.idx.msk [tilespmem:v61+s24+$0x0], $0xffff  }
0x312: {  	s17 =	simm.s32 $0x4;
	s22 =	simm.s32 $0x1BCF0;
	v5 =	vld.idx.msk [tilespmem:v62+s24+$0x0], $0xffff;
	[tilespmem:s3+$0xF0] =	vst v63  }
.LBB2_8:
0x313: {  	v8 =	vld [tilespmem:s22+$0x80];
	s17 =	sadd.s32 $0x4, s17;
	[tilespmem:s3+$0xFFFFFFE0] =	vst v3;
	v1 =	vmov v4  }
0x314: {  	v3 =	vld [tilespmem:s22+$0xFFFFFF80];
	p0 =	slt.u32 s17, $0x24  }
0x315: {  	v4 =	vld [tilespmem:s22+$0x0];
	[tilespmem:s2+$0xFFFFFFF0] =	vst v2  }
0x316: {  	v2 =	vld [tilespmem:s22+$0xFFFFFF00];
	[tilespmem:s3+$0x60] =	vst v6  }
0x317: {  	v6 =	vld [tilespmem:s22+$0xFFFFFF10];
	[tilespmem:s3+$0xFFFFFF70] =	vst v5  }
0x318: {  	v5 =	vld [tilespmem:s22+$0xFFFFFF90];
	[tilespmem:s2+$0x70] =	vst v7;
	s2 =	smov.u32 s3;
	s3 =	smov.u32 s22  }
0x319: {  	v7 =	vld [tilespmem:s22+$0x10]  }
0x31a: {  	v9 =	vld [tilespmem:s22+$0x90]  }
0x31b: {  	v8 =	vld.idx.msk [tilespmem:v8+s24+$0x0], $0xffff  }
0x31c: {  	v3 =	vld.idx.msk [tilespmem:v3+s24+$0x0], $0xffff  }
0x31d: {  	v4 =	vld.idx.msk [tilespmem:v4+s24+$0x0], $0xffff  }
0x31e: {  	v2 =	vld.idx.msk [tilespmem:v2+s24+$0x0], $0xffff  }
0x31f: {  	v10 =	vld [tilespmem:s22+$0xFFFFFF20]  }
0x320: {  	v11 =	vld [tilespmem:s22+$0xFFFFFFA0]  }
0x321: {  	[tilespmem:s22+$0x80] =	vst v8;
	v8 =	vld [tilespmem:s22+$0xA0]  }
0x322: {  	[tilespmem:s22+$0xFFFFFF80] =	vst v3;
	v3 =	vld.idx.msk [tilespmem:v9+s24+$0x0], $0xffff  }
0x323: {  	v5 =	vld.idx.msk [tilespmem:v5+s24+$0x0], $0xffff;
	[tilespmem:s22+$0x0] =	vst v4  }
0x324: {  	[tilespmem:s22+$0xFFFFFF00] =	vst v2;
	v2 =	vld.idx.msk [tilespmem:v7+s24+$0x0], $0xffff  }
0x325: {  	v4 =	vld.idx.msk [tilespmem:v6+s24+$0x0], $0xffff  }
0x326: {  	v6 =	vld [tilespmem:s22+$0x20]  }
0x327: {  	v7 =	vld [tilespmem:s22+$0xFFFFFF30]  }
0x328: {  	[tilespmem:s22+$0x90] =	vst v3;
	v3 =	vld [tilespmem:s22+$0xB0]  }
0x329: {  	[tilespmem:s22+$0xFFFFFF90] =	vst v5;
	v5 =	vld.idx.msk [tilespmem:v8+s24+$0x0], $0xffff  }
0x32a: {  	v8 =	vld.idx.msk [tilespmem:v11+s24+$0x0], $0xffff;
	[tilespmem:s22+$0x10] =	vst v2  }
0x32b: {  	[tilespmem:s22+$0xFFFFFF10] =	vst v4;
	v2 =	vld [tilespmem:s22+$0xFFFFFFB0]  }
0x32c: {  	v4 =	vld.idx.msk [tilespmem:v10+s24+$0x0], $0xffff  }
0x32d: {  	v9 =	vld [tilespmem:s22+$0x30]  }
0x32e: {  	v6 =	vld.idx.msk [tilespmem:v6+s24+$0x0], $0xffff  }
0x32f: {  	[tilespmem:s22+$0xA0] =	vst v5;
	v5 =	vld [tilespmem:s22+$0xC0]  }
0x330: {  	[tilespmem:s22+$0xFFFFFFA0] =	vst v8;
	v3 =	vld.idx.msk [tilespmem:v3+s24+$0x0], $0xffff  }
0x331: {  	v8 =	vld [tilespmem:s22+$0xFFFFFF40]  }
0x332: {  	[tilespmem:s22+$0xFFFFFF20] =	vst v4;
	v4 =	vld [tilespmem:s22+$0xFFFFFFC0]  }
0x333: {  	v7 =	vld.idx.msk [tilespmem:v7+s24+$0x0], $0xffff  }
0x334: {  	v2 =	vld.idx.msk [tilespmem:v2+s24+$0x0], $0xffff;
	[tilespmem:s22+$0x20] =	vst v6  }
0x335: {  	v6 =	vld.idx.msk [tilespmem:v9+s24+$0x0], $0xffff  }
0x336: {  	[tilespmem:s22+$0xB0] =	vst v3;
	v3 =	vld [tilespmem:s22+$0xD0]  }
0x337: {  	v5 =	vld.idx.msk [tilespmem:v5+s24+$0x0], $0xffff  }
0x338: {  	v9 =	vld [tilespmem:s22+$0x40]  }
0x339: {  	[tilespmem:s22+$0xFFFFFF30] =	vst v7;
	v7 =	vld [tilespmem:s22+$0xFFFFFF50]  }
0x33a: {  	v8 =	vld.idx.msk [tilespmem:v8+s24+$0x0], $0xffff;
	[tilespmem:s22+$0xFFFFFFB0] =	vst v2  }
0x33b: {  	v2 =	vld.idx.msk [tilespmem:v4+s24+$0x0], $0xffff;
	[tilespmem:s22+$0x30] =	vst v6  }
0x33c: {  	v4 =	vld [tilespmem:s22+$0xFFFFFFD0]  }
0x33d: {  	[tilespmem:s22+$0xC0] =	vst v5;
	v5 =	vld [tilespmem:s22+$0xE0]  }
0x33e: {  	v3 =	vld.idx.msk [tilespmem:v3+s24+$0x0], $0xffff  }
0x33f: {  	v6 =	vld [tilespmem:s22+$0x50]  }
0x340: {  	[tilespmem:s22+$0xFFFFFF40] =	vst v8;
	v8 =	vld.idx.msk [tilespmem:v9+s24+$0x0], $0xffff  }
0x341: {  	v7 =	vld.idx.msk [tilespmem:v7+s24+$0x0], $0xffff;
	[tilespmem:s22+$0xFFFFFFC0] =	vst v2  }
0x342: {  	v2 =	vld [tilespmem:s22+$0xFFFFFF60]  }
0x343: {  	v9 =	vld [tilespmem:s22+$0xFFFFFFE0]  }
0x344: {  	[tilespmem:s22+$0xD0] =	vst v3;
	v3 =	vld [tilespmem:s22+$0xF0]  }
0x345: {  	v5 =	vld.idx.msk [tilespmem:v5+s24+$0x0], $0xffff  }
0x346: {  	v4 =	vld.idx.msk [tilespmem:v4+s24+$0x0], $0xffff;
	[tilespmem:s22+$0x40] =	vst v8  }
0x347: {  	[tilespmem:s22+$0xFFFFFF50] =	vst v7;
	v6 =	vld.idx.msk [tilespmem:v6+s24+$0x0], $0xffff  }
0x348: {  	v7 =	vld [tilespmem:s22+$0x60]  }
0x349: {  	v8 =	vld [tilespmem:s22+$0xFFFFFF70]  }
0x34a: {  	v10 =	vld.idx.msk [tilespmem:v2+s24+$0x0], $0xffff  }
0x34b: {  	v11 =	vld [tilespmem:s22+$0xFFFFFFF0];
	[tilespmem:s22+$0xE0] =	vst v5  }
0x34c: {  	[tilespmem:s22+$0xFFFFFFD0] =	vst v4;
	v12 =	vld.idx.msk [tilespmem:v3+s24+$0x0], $0xffff  }
0x34d: {  	v3 =	vld.idx.msk [tilespmem:v9+s24+$0x0], $0xffff;
	[tilespmem:s22+$0x50] =	vst v6  }
.Ltmp3:
0x34e: {  	v4 =	vld [tilespmem:s22+$0x70];
	(pc) =	sbr.rel @p0 .LBB2_8-.Ltmp3, $4  }
0x34f: {  	v2 =	vld.idx.msk [tilespmem:v0+s24+$0x0], $0xffff  }
0x350: {  	[tilespmem:s22+$0xFFFFFF60] =	vst v10;
	v6 =	vld.idx.msk [tilespmem:v7+s24+$0x0], $0xffff;
	v0 =	vmov v11  }
0x351: {  	v5 =	vld.idx.msk [tilespmem:v8+s24+$0x0], $0xffff  }
0x352: {  	s22 =	sadd.s32 $0x200, s22;
	[tilespmem:s3+$0xF0] =	vst v12;
	v7 =	vld.idx.msk [tilespmem:v1+s24+$0x0], $0xffff  }
0x353: {  	_ =	sdelay $0x2  }
0x354: {  	[tilespmem:s3+$0xFFFFFFE0] =	vst v3  }
0x355: {  	v0 =	vld.idx.msk [tilespmem:v0+s24+$0x0], $0xffff;
	[tilespmem:s3+$0x60] =	vst v6  }
0x356: {  	v1 =	vld.idx.msk [tilespmem:v4+s24+$0x0], $0xffff  }
0x357: {  	[tilespmem:s2+$0xFFFFFFF0] =	vst v2  }
0x358: {  	[tilespmem:s3+$0xFFFFFF70] =	vst v5  }
0x359: {  	[tilespmem:s2+$0x70] =	vst v7  }
0x35a: {  	[tilespmem:s3+$0xFFFFFFF0] =	vst v0  }
0x35b: {  	[tilespmem:s3+$0x70] =	vst v1  }
0x35c: {  	[hbm4b:s14+s18] =	stream.strided.scatter [tilespmem:s20], [sflag:$0x5], $0x1400, s19, s18, $0x38;
	[tilespmem:$0x1F3F0] =	vst v63  }
0x35d: {  	_ =	swait.ge [sflag:s29], $0x1400  }
0x35e: {  	[sflag:s29] =	ssyncset.done $0x0  }
0x35f: {  	s2 =	simm.s32 $0x1CCF0;
	[sflag:s29] =	ssyncadd.s32 $0xFFFFEC00  }
0x360: {  	v0 =	vld [tilespmem:s2+$0x80]  }
0x361: {  	v1 =	vld [tilespmem:s2+$0xFFFFFF80]  }
0x362: {  	v2 =	vld [tilespmem:s2+$0x0]  }
0x363: {  	v3 =	vld [tilespmem:s2+$0xFFFFFF00]  }
0x364: {  	v4 =	vld [tilespmem:s2+$0xFFFFFF10]  }
0x365: {  	v5 =	vld [tilespmem:s2+$0xFFFFFF90]  }
0x366: {  	v6 =	vld [tilespmem:s2+$0x10]  }
0x367: {  	v7 =	vld [tilespmem:s2+$0x90]  }
0x368: {  	v8 =	vld [tilespmem:s2+$0xFFFFFF20]  }
0x369: {  	s3 =	simm.s32 $0x1CEF0;
	v9 =	vld [tilespmem:s2+$0xFFFFFFA0]  }
0x36a: {  	v49 =	vld [tilespmem:s3+$0xFFFFFF00]  }
0x36b: {  	v10 =	vld [tilespmem:s3+$0xFFFFFF10]  }
0x36c: {  	v11 =	vld [tilespmem:s3+$0xFFFFFF90]  }
0x36d: {  	v12 =	vld [tilespmem:s3+$0x10]  }
0x36e: {  	v13 =	vld [tilespmem:s3+$0x90]  }
0x36f: {  	v14 =	vld [tilespmem:s3+$0xFFFFFF20]  }
0x370: {  	v15 =	vld [tilespmem:s3+$0xFFFFFFA0]  }
0x371: {  	v50 =	vld [tilespmem:s3+$0x20]  }
0x372: {  	v51 =	vld [tilespmem:s3+$0xFFFFFF30]  }
0x373: {  	v52 =	vld [tilespmem:s3+$0xFFFFFFB0]  }
0x374: {  	v53 =	vld [tilespmem:s3+$0x30]  }
0x375: {  	v54 =	vld [tilespmem:s3+$0xFFFFFF40]  }
0x376: {  	v55 =	vld [tilespmem:s3+$0x40]  }
0x377: {  	v56 =	vld [tilespmem:s3+$0xFFFFFF50]  }
0x378: {  	v1 =	vld.idx.msk [tilespmem:v1+s24+$0x0], $0xffff  }
0x379: {  	v3 =	vld.idx.msk [tilespmem:v3+s24+$0x0], $0xffff  }
0x37a: {  	v2 =	vld.idx.msk [tilespmem:v2+s24+$0x0], $0xffff  }
0x37b: {  	v57 =	vld [tilespmem:s3+$0xFFFFFFD0]  }
0x37c: {  	v0 =	vld.idx.msk [tilespmem:v0+s24+$0x0], $0xffff  }
0x37d: {  	v58 =	vld [tilespmem:s3+$0x50];
	[tilespmem:s2+$0xFFFFFF80] =	vst v1  }
0x37e: {  	[tilespmem:s2+$0xFFFFFF00] =	vst v3;
	v5 =	vld.idx.msk [tilespmem:v5+s24+$0x0], $0xffff  }
0x37f: {  	[tilespmem:s2+$0x0] =	vst v2;
	v3 =	vld.idx.msk [tilespmem:v4+s24+$0x0], $0xffff  }
0x380: {  	v2 =	vld.idx.msk [tilespmem:v6+s24+$0x0], $0xffff  }
0x381: {  	[tilespmem:s2+$0x80] =	vst v0;
	v4 =	vld [tilespmem:s2+$0x20]  }
0x382: {  	v1 =	vld.idx.msk [tilespmem:v7+s24+$0x0], $0xffff  }
0x383: {  	v6 =	vld [tilespmem:s2+$0xFFFFFF30];
	[tilespmem:s2+$0xFFFFFF90] =	vst v5  }
0x384: {  	[tilespmem:s2+$0xFFFFFF10] =	vst v3;
	v3 =	vld [tilespmem:s2+$0xFFFFFFB0]  }
0x385: {  	v5 =	vld.idx.msk [tilespmem:v9+s24+$0x0], $0xffff  }
0x386: {  	[tilespmem:s2+$0x10] =	vst v2;
	v2 =	vld.idx.msk [tilespmem:v8+s24+$0x0], $0xffff  }
0x387: {  	v7 =	vld [tilespmem:s2+$0x30]  }
0x388: {  	v60 =	vld [tilespmem:s3+$0xFFFFFFE0]  }
0x389: {  	v4 =	vld.idx.msk [tilespmem:v4+s24+$0x0], $0xffff  }
0x38a: {  	[tilespmem:s2+$0xFFFFFFA0] =	vst v5;
	v5 =	vld [tilespmem:s2+$0xFFFFFF40]  }
0x38b: {  	[tilespmem:s2+$0xFFFFFF20] =	vst v2;
	v2 =	vld [tilespmem:s2+$0xFFFFFFC0]  }
0x38c: {  	v6 =	vld.idx.msk [tilespmem:v6+s24+$0x0], $0xffff  }
0x38d: {  	v3 =	vld.idx.msk [tilespmem:v3+s24+$0x0], $0xffff  }
0x38e: {  	v0 =	vld [tilespmem:s2+$0xA0];
	[tilespmem:s2+$0x20] =	vst v4  }
0x38f: {  	v4 =	vld.idx.msk [tilespmem:v7+s24+$0x0], $0xffff  }
0x390: {  	v7 =	vld [tilespmem:s2+$0x40]  }
0x391: {  	[tilespmem:s2+$0xFFFFFF30] =	vst v6;
	v6 =	vld [tilespmem:s2+$0xFFFFFF50]  }
0x392: {  	[tilespmem:s2+$0xFFFFFFB0] =	vst v3;
	v3 =	vld [tilespmem:s2+$0xFFFFFFD0]  }
0x393: {  	v5 =	vld.idx.msk [tilespmem:v5+s24+$0x0], $0xffff  }
0x394: {  	v2 =	vld.idx.msk [tilespmem:v2+s24+$0x0], $0xffff  }
0x395: {  	v61 =	vld [tilespmem:s3+$0x60]  }
0x396: {  	[tilespmem:s2+$0x30] =	vst v4;
	v4 =	vld [tilespmem:s2+$0x50]  }
0x397: {  	[tilespmem:s2+$0x90] =	vst v1;
	v1 =	vld [tilespmem:s2+$0xB0]  }
0x398: {  	[tilespmem:s2+$0xFFFFFF40] =	vst v5;
	v5 =	vld.idx.msk [tilespmem:v7+s24+$0x0], $0xffff  }
0x399: {  	[tilespmem:s2+$0xFFFFFFC0] =	vst v2;
	v2 =	vld [tilespmem:s2+$0xFFFFFF60]  }
0x39a: {  	v6 =	vld.idx.msk [tilespmem:v6+s24+$0x0], $0xffff  }
0x39b: {  	v0 =	vld.idx.msk [tilespmem:v0+s24+$0x0], $0xffff  }
0x39c: {  	v3 =	vld.idx.msk [tilespmem:v3+s24+$0x0], $0xffff  }
0x39d: {  	[tilespmem:s2+$0x40] =	vst v5;
	v5 =	vld [tilespmem:s2+$0x60]  }
0x39e: {  	v4 =	vld.idx.msk [tilespmem:v4+s24+$0x0], $0xffff  }
0x39f: {  	[tilespmem:s2+$0xFFFFFF50] =	vst v6;
	v6 =	vld [tilespmem:s2+$0xFFFFFF70]  }
0x3a0: {  	v62 =	vld [tilespmem:s3+$0xFFFFFF70]  }
0x3a1: {  	v2 =	vld.idx.msk [tilespmem:v2+s24+$0x0], $0xffff  }
0x3a2: {  	[tilespmem:s2+$0xFFFFFFD0] =	vst v3;
	v3 =	vld [tilespmem:s3+$0x80]  }
0x3a3: {  	[tilespmem:s2+$0xA0] =	vst v0;
	v0 =	vld [tilespmem:s2+$0xC0]  }
0x3a4: {  	[tilespmem:s2+$0x50] =	vst v4;
	v4 =	vld [tilespmem:s3+$0xFFFFFF80]  }
0x3a5: {  	v1 =	vld.idx.msk [tilespmem:v1+s24+$0x0], $0xffff  }
0x3a6: {  	[tilespmem:s2+$0xFFFFFF60] =	vst v2;
	v2 =	vld.idx.msk [tilespmem:v5+s24+$0x0], $0xffff  }
0x3a7: {  	v5 =	vld.idx.msk [tilespmem:v6+s24+$0x0], $0xffff  }
0x3a8: {  	v6 =	vld [tilespmem:s3+$0x0]  }
0x3a9: {  	v8 =	vld [tilespmem:s2+$0xFFFFFFF0]  }
0x3aa: {  	v3 =	vld.idx.msk [tilespmem:v3+s24+$0x0], $0xffff  }
0x3ab: {  	[tilespmem:s2+$0xB0] =	vst v1;
	v1 =	vld [tilespmem:s2+$0xD0]  }
0x3ac: {  	v4 =	vld.idx.msk [tilespmem:v4+s24+$0x0], $0xffff  }
0x3ad: {  	v0 =	vld.idx.msk [tilespmem:v0+s24+$0x0], $0xffff  }
0x3ae: {  	v9 =	vld.idx.msk [tilespmem:v49+s24+$0x0], $0xffff  }
0x3af: {  	[tilespmem:s3+$0x80] =	vst v3;
	v3 =	vld [tilespmem:s3+$0xA0]  }
0x3b0: {  	v6 =	vld.idx.msk [tilespmem:v6+s24+$0x0], $0xffff  }
0x3b1: {  	[tilespmem:s3+$0xFFFFFF80] =	vst v4;
	v4 =	vld.idx.msk [tilespmem:v13+s24+$0x0], $0xffff  }
0x3b2: {  	[tilespmem:s2+$0xC0] =	vst v0;
	v0 =	vld [tilespmem:s2+$0xE0]  }
0x3b3: {  	v1 =	vld.idx.msk [tilespmem:v1+s24+$0x0], $0xffff  }
0x3b4: {  	[tilespmem:s3+$0xFFFFFF00] =	vst v9;
	v11 =	vld.idx.msk [tilespmem:v11+s24+$0x0], $0xffff  }
0x3b5: {  	v9 =	vld.idx.msk [tilespmem:v10+s24+$0x0], $0xffff;
	[tilespmem:s3+$0x0] =	vst v6  }
0x3b6: {  	[tilespmem:s3+$0x90] =	vst v4;
	v4 =	vld [tilespmem:s3+$0xB0]  }
0x3b7: {  	v6 =	vld.idx.msk [tilespmem:v12+s24+$0x0], $0xffff  }
0x3b8: {  	[tilespmem:s2+$0xD0] =	vst v1;
	v3 =	vld.idx.msk [tilespmem:v3+s24+$0x0], $0xffff  }
0x3b9: {  	v1 =	vld [tilespmem:s2+$0xF0];
	[tilespmem:s3+$0xFFFFFF90] =	vst v11  }
0x3ba: {  	v11 =	vld.idx.msk [tilespmem:v15+s24+$0x0], $0xffff  }
0x3bb: {  	[tilespmem:s3+$0xFFFFFF10] =	vst v9;
	v0 =	vld.idx.msk [tilespmem:v0+s24+$0x0], $0xffff  }
0x3bc: {  	[tilespmem:s3+$0x10] =	vst v6;
	v6 =	vld.idx.msk [tilespmem:v14+s24+$0x0], $0xffff  }
0x3bd: {  	[tilespmem:s3+$0xA0] =	vst v3;
	v3 =	vld [tilespmem:s3+$0xC0]  }
0x3be: {  	v4 =	vld.idx.msk [tilespmem:v4+s24+$0x0], $0xffff  }
0x3bf: {  	v10 =	vld.idx.msk [tilespmem:v50+s24+$0x0], $0xffff;
	[tilespmem:s3+$0xFFFFFFA0] =	vst v11  }
0x3c0: {  	v9 =	vld.idx.msk [tilespmem:v52+s24+$0x0], $0xffff  }
0x3c1: {  	[tilespmem:s3+$0xFFFFFF20] =	vst v6;
	v6 =	vld [tilespmem:s3+$0xFFFFFFC0]  }
0x3c2: {  	v12 =	vld.idx.msk [tilespmem:v51+s24+$0x0], $0xffff  }
0x3c3: {  	[tilespmem:s3+$0xB0] =	vst v4;
	v4 =	vld [tilespmem:s3+$0xD0]  }
0x3c4: {  	v7 =	vld [tilespmem:s2+$0xFFFFFFE0]  }
0x3c5: {  	[tilespmem:s2+$0xE0] =	vst v0;
	v3 =	vld.idx.msk [tilespmem:v3+s24+$0x0], $0xffff  }
0x3c6: {  	v0 =	vld.idx.msk [tilespmem:v1+s24+$0x0], $0xffff;
	[tilespmem:s3+$0x20] =	vst v10  }
0x3c7: {  	v10 =	vld.idx.msk [tilespmem:v53+s24+$0x0], $0xffff;
	[tilespmem:s3+$0xFFFFFF30] =	vst v12  }
0x3c8: {  	[tilespmem:s3+$0xFFFFFFB0] =	vst v9;
	v11 =	vld.idx.msk [tilespmem:v54+s24+$0x0], $0xffff  }
0x3c9: {  	v6 =	vld.idx.msk [tilespmem:v6+s24+$0x0], $0xffff  }
0x3ca: {  	[tilespmem:s3+$0xC0] =	vst v3;
	v3 =	vld [tilespmem:s3+$0xE0]  }
0x3cb: {  	v4 =	vld.idx.msk [tilespmem:v4+s24+$0x0], $0xffff  }
0x3cc: {  	v1 =	vld.idx.msk [tilespmem:v7+s24+$0x0], $0xffff;
	[tilespmem:s3+$0x30] =	vst v10  }
0x3cd: {  	v59 =	vld.idx.msk [tilespmem:v55+s24+$0x0], $0xffff;
	[tilespmem:s3+$0xFFFFFF40] =	vst v11  }
0x3ce: {  	[tilespmem:s3+$0xFFFFFFC0] =	vst v6;
	v6 =	vld [tilespmem:s3+$0xFFFFFF60]  }
0x3cf: {  	v12 =	vld.idx.msk [tilespmem:v56+s24+$0x0], $0xffff  }
0x3d0: {  	[tilespmem:s3+$0xD0] =	vst v4;
	v4 =	vld [tilespmem:s3+$0xF0]  }
0x3d1: {  	v9 =	vld.idx.msk [tilespmem:v57+s24+$0x0], $0xffff  }
0x3d2: {  	v3 =	vld.idx.msk [tilespmem:v3+s24+$0x0], $0xffff  }
0x3d3: {  	v7 =	vld [tilespmem:s2+$0x70];
	[tilespmem:s2+$0xF0] =	vst v0  }
0x3d4: {  	v0 =	vld [tilespmem:s3+$0xFFFFFFF0];
	[tilespmem:s3+$0x40] =	vst v59  }
0x3d5: {  	v10 =	vld.idx.msk [tilespmem:v58+s24+$0x0], $0xffff;
	[tilespmem:s3+$0xFFFFFF50] =	vst v12  }
0x3d6: {  	[tilespmem:s3+$0xFFFFFFD0] =	vst v9;
	v6 =	vld.idx.msk [tilespmem:v6+s24+$0x0], $0xffff  }
0x3d7: {  	[tilespmem:s3+$0xE0] =	vst v3;
	v3 =	vld.idx.msk [tilespmem:v60+s24+$0x0], $0xffff  }
0x3d8: {  	[tilespmem:s2+$0x60] =	vst v2;
	v63 =	vld.idx.msk [tilespmem:v4+s24+$0x0], $0xffff  }
0x3d9: {  	[tilespmem:s2+$0xFFFFFFE0] =	vst v1;
	v4 =	vld [tilespmem:s3+$0x70]  }
0x3da: {  	[tilespmem:s2+$0xFFFFFF70] =	vst v5;
	v2 =	vld.idx.msk [tilespmem:v8+s24+$0x0], $0xffff  }
0x3db: {  	v7 =	vld.idx.msk [tilespmem:v7+s24+$0x0], $0xffff;
	[tilespmem:s3+$0x50] =	vst v10  }
0x3dc: {  	[tilespmem:s3+$0xFFFFFF60] =	vst v6;
	v6 =	vld.idx.msk [tilespmem:v61+s24+$0x0], $0xffff  }
0x3dd: {  	s17 =	simm.s32 $0x4;
	s22 =	simm.s32 $0x1D0F0;
	v5 =	vld.idx.msk [tilespmem:v62+s24+$0x0], $0xffff;
	[tilespmem:s3+$0xF0] =	vst v63  }
.LBB2_10:
0x3de: {  	v8 =	vld [tilespmem:s22+$0x80];
	s17 =	sadd.s32 $0x4, s17;
	[tilespmem:s3+$0xFFFFFFE0] =	vst v3;
	v1 =	vmov v4  }
0x3df: {  	v3 =	vld [tilespmem:s22+$0xFFFFFF80];
	p0 =	slt.u32 s17, $0x24  }
0x3e0: {  	v4 =	vld [tilespmem:s22+$0x0];
	[tilespmem:s2+$0xFFFFFFF0] =	vst v2  }
0x3e1: {  	v2 =	vld [tilespmem:s22+$0xFFFFFF00];
	[tilespmem:s3+$0x60] =	vst v6  }
0x3e2: {  	v6 =	vld [tilespmem:s22+$0xFFFFFF10];
	[tilespmem:s3+$0xFFFFFF70] =	vst v5  }
0x3e3: {  	v5 =	vld [tilespmem:s22+$0xFFFFFF90];
	[tilespmem:s2+$0x70] =	vst v7;
	s2 =	smov.u32 s3;
	s3 =	smov.u32 s22  }
0x3e4: {  	v7 =	vld [tilespmem:s22+$0x10]  }
0x3e5: {  	v9 =	vld [tilespmem:s22+$0x90]  }
0x3e6: {  	v8 =	vld.idx.msk [tilespmem:v8+s24+$0x0], $0xffff  }
0x3e7: {  	v3 =	vld.idx.msk [tilespmem:v3+s24+$0x0], $0xffff  }
0x3e8: {  	v4 =	vld.idx.msk [tilespmem:v4+s24+$0x0], $0xffff  }
0x3e9: {  	v2 =	vld.idx.msk [tilespmem:v2+s24+$0x0], $0xffff  }
0x3ea: {  	v10 =	vld [tilespmem:s22+$0xFFFFFF20]  }
0x3eb: {  	v11 =	vld [tilespmem:s22+$0xFFFFFFA0]  }
0x3ec: {  	[tilespmem:s22+$0x80] =	vst v8;
	v8 =	vld [tilespmem:s22+$0xA0]  }
0x3ed: {  	[tilespmem:s22+$0xFFFFFF80] =	vst v3;
	v3 =	vld.idx.msk [tilespmem:v9+s24+$0x0], $0xffff  }
0x3ee: {  	v5 =	vld.idx.msk [tilespmem:v5+s24+$0x0], $0xffff;
	[tilespmem:s22+$0x0] =	vst v4  }
0x3ef: {  	[tilespmem:s22+$0xFFFFFF00] =	vst v2;
	v2 =	vld.idx.msk [tilespmem:v7+s24+$0x0], $0xffff  }
0x3f0: {  	v4 =	vld.idx.msk [tilespmem:v6+s24+$0x0], $0xffff  }
0x3f1: {  	v6 =	vld [tilespmem:s22+$0x20]  }
0x3f2: {  	v7 =	vld [tilespmem:s22+$0xFFFFFF30]  }
0x3f3: {  	[tilespmem:s22+$0x90] =	vst v3;
	v3 =	vld [tilespmem:s22+$0xB0]  }
0x3f4: {  	[tilespmem:s22+$0xFFFFFF90] =	vst v5;
	v5 =	vld.idx.msk [tilespmem:v8+s24+$0x0], $0xffff  }
0x3f5: {  	v8 =	vld.idx.msk [tilespmem:v11+s24+$0x0], $0xffff;
	[tilespmem:s22+$0x10] =	vst v2  }
0x3f6: {  	[tilespmem:s22+$0xFFFFFF10] =	vst v4;
	v2 =	vld [tilespmem:s22+$0xFFFFFFB0]  }
0x3f7: {  	v4 =	vld.idx.msk [tilespmem:v10+s24+$0x0], $0xffff  }
0x3f8: {  	v9 =	vld [tilespmem:s22+$0x30]  }
0x3f9: {  	v6 =	vld.idx.msk [tilespmem:v6+s24+$0x0], $0xffff  }
0x3fa: {  	[tilespmem:s22+$0xA0] =	vst v5;
	v5 =	vld [tilespmem:s22+$0xC0]  }
0x3fb: {  	[tilespmem:s22+$0xFFFFFFA0] =	vst v8;
	v3 =	vld.idx.msk [tilespmem:v3+s24+$0x0], $0xffff  }
0x3fc: {  	v8 =	vld [tilespmem:s22+$0xFFFFFF40]  }
0x3fd: {  	[tilespmem:s22+$0xFFFFFF20] =	vst v4;
	v4 =	vld [tilespmem:s22+$0xFFFFFFC0]  }
0x3fe: {  	v7 =	vld.idx.msk [tilespmem:v7+s24+$0x0], $0xffff  }
0x3ff: {  	v2 =	vld.idx.msk [tilespmem:v2+s24+$0x0], $0xffff;
	[tilespmem:s22+$0x20] =	vst v6  }
0x400: {  	v6 =	vld.idx.msk [tilespmem:v9+s24+$0x0], $0xffff  }
0x401: {  	[tilespmem:s22+$0xB0] =	vst v3;
	v3 =	vld [tilespmem:s22+$0xD0]  }
0x402: {  	v5 =	vld.idx.msk [tilespmem:v5+s24+$0x0], $0xffff  }
0x403: {  	v9 =	vld [tilespmem:s22+$0x40]  }
0x404: {  	[tilespmem:s22+$0xFFFFFF30] =	vst v7;
	v7 =	vld [tilespmem:s22+$0xFFFFFF50]  }
0x405: {  	v8 =	vld.idx.msk [tilespmem:v8+s24+$0x0], $0xffff;
	[tilespmem:s22+$0xFFFFFFB0] =	vst v2  }
0x406: {  	v2 =	vld.idx.msk [tilespmem:v4+s24+$0x0], $0xffff;
	[tilespmem:s22+$0x30] =	vst v6  }
0x407: {  	v4 =	vld [tilespmem:s22+$0xFFFFFFD0]  }
0x408: {  	[tilespmem:s22+$0xC0] =	vst v5;
	v5 =	vld [tilespmem:s22+$0xE0]  }
0x409: {  	v3 =	vld.idx.msk [tilespmem:v3+s24+$0x0], $0xffff  }
0x40a: {  	v6 =	vld [tilespmem:s22+$0x50]  }
0x40b: {  	[tilespmem:s22+$0xFFFFFF40] =	vst v8;
	v8 =	vld.idx.msk [tilespmem:v9+s24+$0x0], $0xffff  }
0x40c: {  	v7 =	vld.idx.msk [tilespmem:v7+s24+$0x0], $0xffff;
	[tilespmem:s22+$0xFFFFFFC0] =	vst v2  }
0x40d: {  	v2 =	vld [tilespmem:s22+$0xFFFFFF60]  }
0x40e: {  	v9 =	vld [tilespmem:s22+$0xFFFFFFE0]  }
0x40f: {  	[tilespmem:s22+$0xD0] =	vst v3;
	v3 =	vld [tilespmem:s22+$0xF0]  }
0x410: {  	v5 =	vld.idx.msk [tilespmem:v5+s24+$0x0], $0xffff  }
0x411: {  	v4 =	vld.idx.msk [tilespmem:v4+s24+$0x0], $0xffff;
	[tilespmem:s22+$0x40] =	vst v8  }
0x412: {  	[tilespmem:s22+$0xFFFFFF50] =	vst v7;
	v6 =	vld.idx.msk [tilespmem:v6+s24+$0x0], $0xffff  }
0x413: {  	v7 =	vld [tilespmem:s22+$0x60]  }
0x414: {  	v8 =	vld [tilespmem:s22+$0xFFFFFF70]  }
0x415: {  	v10 =	vld.idx.msk [tilespmem:v2+s24+$0x0], $0xffff  }
0x416: {  	v11 =	vld [tilespmem:s22+$0xFFFFFFF0];
	[tilespmem:s22+$0xE0] =	vst v5  }
0x417: {  	[tilespmem:s22+$0xFFFFFFD0] =	vst v4;
	v12 =	vld.idx.msk [tilespmem:v3+s24+$0x0], $0xffff  }
0x418: {  	v3 =	vld.idx.msk [tilespmem:v9+s24+$0x0], $0xffff;
	[tilespmem:s22+$0x50] =	vst v6  }
.Ltmp4:
0x419: {  	v4 =	vld [tilespmem:s22+$0x70];
	(pc) =	sbr.rel @p0 .LBB2_10-.Ltmp4, $4  }
0x41a: {  	v2 =	vld.idx.msk [tilespmem:v0+s24+$0x0], $0xffff  }
0x41b: {  	[tilespmem:s22+$0xFFFFFF60] =	vst v10;
	v6 =	vld.idx.msk [tilespmem:v7+s24+$0x0], $0xffff;
	v0 =	vmov v11  }
0x41c: {  	v5 =	vld.idx.msk [tilespmem:v8+s24+$0x0], $0xffff  }
0x41d: {  	s22 =	sadd.s32 $0x200, s22;
	[tilespmem:s3+$0xF0] =	vst v12;
	v7 =	vld.idx.msk [tilespmem:v1+s24+$0x0], $0xffff  }
0x41e: {  	_ =	sdelay $0x2  }
0x41f: {  	[tilespmem:s3+$0xFFFFFFE0] =	vst v3  }
0x420: {  	v0 =	vld.idx.msk [tilespmem:v0+s24+$0x0], $0xffff;
	[tilespmem:s3+$0x60] =	vst v6  }
0x421: {  	v1 =	vld.idx.msk [tilespmem:v4+s24+$0x0], $0xffff  }
0x422: {  	[tilespmem:s2+$0xFFFFFFF0] =	vst v2  }
0x423: {  	[tilespmem:s3+$0xFFFFFF70] =	vst v5  }
0x424: {  	[tilespmem:s2+$0x70] =	vst v7  }
0x425: {  	[tilespmem:s3+$0xFFFFFFF0] =	vst v0  }
0x426: {  	[tilespmem:s3+$0x70] =	vst v1  }
0x427: {  	[hbm4b:s15+s18] =	stream.strided.scatter [tilespmem:s21], [sflag:$0x6], $0x1400, s19, s18, $0x38;
	[tilespmem:$0x1F3F0] =	vst v63  }
0x428: {  	_ =	swait.ge [sflag:s0], $0x1400  }
0x429: {  	[sflag:s0] =	ssyncset.done $0x0  }
0x42a: {  	s1 =	sadd.s32 $0x1, s1;
	[sflag:s0] =	ssyncadd.s32 $0xFFFFEC00  }
0x42b: {  	p0 =	sne.s32 s1, s16;
	_ =	swait.ge [sflag:s28], $0x1400  }
.Ltmp5:
0x42c: {  	[sflag:s28] =	ssyncset.done $0x0;
	(pc) =	sbr.rel @p0 .LBB2_1-.Ltmp5, $4  }
0x42d: {  	[sflag:s28] =	ssyncadd.s32 $0xFFFFEC00  }
0x42e: {  	_ =	swait.ge [sflag:s30], $0x1400  }
0x42f: {  	[sflag:s30] =	ssyncset.done $0x0  }
0x430: {  	[sflag:s30] =	ssyncadd.s32 $0xFFFFEC00  }
0x431: {  	_ =	sfence.sel $0x180000  }
0x432: {  	[bflag:$0x0] =	sbarrier.arrive $0xFFFF  }
0x433: {  	_ =	strace $0x90000047  }
0x434: {  	s0 =	stileid.u32;
	[bflag:$0x2] =	sbarrier.arrive $0xFFFF  }
0x435: {  	p0 =	sne.s32 s0, $0x0;
	s0 =	rddreg [dreg:$0x4]  }
0x436: {  	s0 =	sadd.s32 @!p0 $0x100000, s0  }
0x437: {  	[sflag:s0] =	ssyncadd.tile.s32 @!p0 $0x1;
	_ =	shalt  }
.Lfunc_end2:
_tile_overlayer_lowered:
.L_overlay_start_2:
0x438: {  	(tag) =	ssettag $0x2  }
0x439: {  	s0 =	rddreg [dreg:$0x0];
	s2 =	stileid.u32  }
0x43a: {  	s1 =	rddreg [dreg:$0x1];
	p0 =	sne.s32 s2, $0x0  }
0x43b: {  	s3 =	rddreg [dreg:$0x2];
	[bflag:$0x3] =	sbarrier.arrive $0xFFFF;
	s2 =	simm.s32 @!p0 $0x1C08  }
0x43c: {  	[timem:s3], [sflag:s2] =	dma.local @!p0 [hbm:s0], s1  }
0x43d: {  	s0 =	simm.s32 @!p0 $0x8  }
0x43e: {  	_ =	swait.ge @!p0 [sflag:s0], s1  }
0x43f: {  	s1 =	ssub.s32 @!p0 $0x0, s1;
	[sflag:s0] =	ssyncset.done @!p0 $0x0  }
0x440: {  	[sflag:s0] =	ssyncadd.s32 @!p0 s1  }
0x441: {  	[bflag:$0x3] =	sbarrier.arrive $0xFFFF  }
0x442: {  	_ =	shalt  }

</sc_bundles>
